<compile_context>
chip_gen: v7x
topology: tpu7x:2x2x1
jax: 0.10.2.dev20260603
libtpu: 0.0.44.dev20260713+nightly
codegen_flags: <defaults>
</compile_context>

<pallas_src>
import functools

import jax
import jax.numpy as jnp
from jax import lax
from jax.experimental import pallas as pl
from jax.experimental.pallas import tpu as pltpu
from jax.experimental.pallas import tpu_sc as plsc

N = 10000
D = 128
E = 320000
NW = 32
K = 128
NB = 4
CH = NB * (-(-E // (NW * K * NB)))
Q = CH * K
EP = NW * Q
R = 10240
ZR = R // 16
OR_ = N // 16
DUMMY = N
DW = 128

_mesh = plsc.VectorSubcoreMesh(core_axis_name="c", subcore_axis_name="s")


def _sc_agg_body(h_hbm, srcp_hbm, dstp_hbm, zeros_hbm, out_hbm,
                 sidx0, sidx1, didx0, didx1, rows0, rows1, acc, gsem):
    c = lax.axis_index("c")
    s = lax.axis_index("s")
    wid = c * 16 + s
    pltpu.sync_copy(zeros_hbm, acc.at[pl.ds(s * ZR, ZR)])
    plsc.subcore_barrier()
    base = wid * Q
    pltpu.sync_copy(srcp_hbm.at[pl.ds(base, K)], sidx0)
    pltpu.sync_copy(h_hbm.at[sidx0], rows0)

    def grp(g, carry):
        i0 = g * 2
        pltpu.sync_copy(srcp_hbm.at[pl.ds(base + (i0 + 1) * K, K)], sidx1)
        pltpu.async_copy(h_hbm.at[sidx1], rows1, gsem)
        pltpu.sync_copy(dstp_hbm.at[pl.ds(base + i0 * K, K)], didx0)
        pltpu.sync_copy(rows0, acc.at[didx0], add=True)
        pltpu.make_async_copy(h_hbm.at[sidx1], rows1, gsem).wait()
        nxt = jnp.minimum(i0 + 2, CH - 1)
        pltpu.sync_copy(srcp_hbm.at[pl.ds(base + nxt * K, K)], sidx0)
        pltpu.async_copy(h_hbm.at[sidx0], rows0, gsem)
        pltpu.sync_copy(dstp_hbm.at[pl.ds(base + (i0 + 1) * K, K)], didx1)
        pltpu.sync_copy(rows1, acc.at[didx1], add=True)
        pltpu.make_async_copy(h_hbm.at[sidx0], rows0, gsem).wait()
        return carry

    lax.fori_loop(0, CH // 2, grp, 0)
    plsc.subcore_barrier()
    pltpu.sync_copy(acc.at[pl.ds(s * ZR, ZR)],
                    out_hbm.at[c, pl.ds(s * ZR, ZR)])


_sc_agg = pl.kernel(
    _sc_agg_body,
    out_type=jax.ShapeDtypeStruct((2, R, D), jnp.float32),
    mesh=_mesh,
    scratch_types=[
        pltpu.VMEM((K,), jnp.int32),
        pltpu.VMEM((K,), jnp.int32),
        pltpu.VMEM((K,), jnp.int32),
        pltpu.VMEM((K,), jnp.int32),
        pltpu.VMEM((K, D), jnp.float32),
        pltpu.VMEM((K, D), jnp.float32),
        pltpu.VMEM_SHARED((R, D), jnp.float32),
        pltpu.SemaphoreType.DMA,
    ],
)


def _sc_deg_body(dstp_hbm, ones_hbm, zeros_hbm, out_hbm, didx, ones_v, acc):
    c = lax.axis_index("c")
    s = lax.axis_index("s")
    wid = c * 16 + s
    pltpu.sync_copy(zeros_hbm, acc.at[pl.ds(s * ZR, ZR)])
    pltpu.sync_copy(ones_hbm, ones_v)
    plsc.subcore_barrier()
    base = wid * Q

    def body(i, carry):
        pltpu.sync_copy(dstp_hbm.at[pl.ds(base + i * K, K)], didx)
        pltpu.sync_copy(ones_v, acc.at[didx], add=True)
        return carry

    lax.fori_loop(0, CH, body, 0)
    plsc.subcore_barrier()
    pltpu.sync_copy(acc.at[pl.ds(s * ZR, ZR)],
                    out_hbm.at[c, pl.ds(s * ZR, ZR)])


_sc_deg = pl.kernel(
    _sc_deg_body,
    out_type=jax.ShapeDtypeStruct((2, R, DW), jnp.float32),
    mesh=_mesh,
    scratch_types=[
        pltpu.VMEM((K,), jnp.int32),
        pltpu.VMEM((K, DW), jnp.float32),
        pltpu.VMEM_SHARED((R, DW), jnp.float32),
    ],
)


def _tc_inv_body(degp_ref, inv_ref):
    d = degp_ref[0, :, 0:1] + degp_ref[1, :, 0:1]
    inv = jnp.where(d > 0, 1.0 / jnp.maximum(d, 1.0), 0.0)
    inv_ref[...] = inv[:N, :]


_tc_inv = pl.pallas_call(
    _tc_inv_body,
    out_shape=jax.ShapeDtypeStruct((N, 1), jnp.float32),
)


def _tc_dense_body(h_ref, parts_ref, inv_ref, w_ref, out_ref):
    a = (parts_ref[0] + parts_ref[1]) * inv_ref[...]
    z = (jnp.dot(h_ref[...], w_ref[:D, :], preferred_element_type=jnp.float32)
         + jnp.dot(a, w_ref[D:, :], preferred_element_type=jnp.float32))
    z = jnp.maximum(z, 0.0)
    nrm = jnp.sqrt(jnp.sum(z * z, axis=1, keepdims=True))
    out_ref[...] = z / jnp.maximum(nrm, 1e-12)


_B = 1000


_tc_dense = pl.pallas_call(
    _tc_dense_body,
    grid=(N // _B,),
    in_specs=[
        pl.BlockSpec((_B, D), lambda i: (i, 0)),
        pl.BlockSpec((2, _B, D), lambda i: (0, i, 0)),
        pl.BlockSpec((_B, 1), lambda i: (i, 0)),
        pl.BlockSpec((2 * D, D), lambda i: (0, 0)),
    ],
    out_specs=pl.BlockSpec((_B, D), lambda i: (i, 0)),
    out_shape=jax.ShapeDtypeStruct((N, D), jnp.float32),
)


def kernel(x, edge_index, W1, W2):
    src = edge_index[0].astype(jnp.int32)
    dst = edge_index[1].astype(jnp.int32)
    pad = EP - E
    srcp = jnp.concatenate([src, jnp.zeros((pad,), jnp.int32)])
    dstp = jnp.concatenate([dst, jnp.full((pad,), DUMMY, jnp.int32)])
    zrows = jnp.zeros((ZR, D), jnp.float32)
    zdeg = jnp.zeros((ZR, DW), jnp.float32)
    ones = jnp.ones((K, DW), jnp.float32)

    degp = _sc_deg(dstp, ones, zdeg)
    inv = _tc_inv(degp)
    zrows = jnp.tile(jnp.minimum(degp[0, :ZR], 0.0), (1, D // DW))
    p1 = _sc_agg(x, srcp, dstp, zrows)
    h1 = _tc_dense(x, p1, inv, W1)
    p2 = _sc_agg(h1, srcp, dstp, zrows)
    h2 = _tc_dense(h1, p2, inv, W2)
    return h2

# --- scband reference (transcript-rebuilt; emitter-appended) ---
"""Pipeline reference for scband-gnn-5205500362786 (READ-ONLY COPY).

The authoritative reference and input builder live on the scoring server;
editing this copy changes nothing except your own understanding.
"""

import jax, jax.numpy as jnp
import numpy as np

N_NODES = 10000
N_EDGES = 320000
D_FEAT = 128
D_OUT = 128

def setup_inputs(seed: int = 0) -> dict:
    key = jax.random.key(seed)
    k1, k2, k3, k4 = jax.random.split(key, 4)
    x = jax.random.normal(k1, (N_NODES, D_FEAT), dtype=jnp.float32)
    edge_index = jax.random.randint(k2, (2, N_EDGES), 0, N_NODES, dtype=jnp.int64)
    # GNNLayer weights: non-gcn/gat GraphSage => weight shape (2*in, out), xavier_uniform
    def xavier(k, fan_in, fan_out):
        limit = float(np.sqrt(6.0 / (fan_in + fan_out)))
        return jax.random.uniform(k, (fan_in, fan_out), dtype=jnp.float32, minval=-limit, maxval=limit)
    W1 = xavier(k3, 2 * D_FEAT, D_OUT)
    W2 = xavier(k4, 2 * D_OUT, D_OUT)
    return {"x": x, "edge_index": edge_index, "W1": W1, "W2": W2}

def reference(x, edge_index, W1, W2):
    # Faithful dense-equivalent of GNN.forward with gcn=False, gat=False,
    # agg_func='MEAN', a_loss='none', num_layers=2:
    # per layer: mean-aggregate neighbor feats (row-normalized mask.mm(embed)),
    # concat(self, agg) @ W, relu, then F.normalize (L2 rows).
    src = edge_index[0]
    dst = edge_index[1]
    n = x.shape[0]
    deg = jax.ops.segment_sum(jnp.ones((edge_index.shape[1],), dtype=jnp.float32), dst, num_segments=n)
    inv_deg = jnp.where(deg > 0, 1.0 / jnp.maximum(deg, 1.0), 0.0)

    def layer(h, W):
        msgs = jnp.take(h, src, axis=0)                     # gather (SparseCore)
        agg = jax.ops.segment_sum(msgs, dst, num_segments=n)  # scatter-add
        agg = agg * inv_deg[:, None]                        # MEAN aggregation
        combined = jnp.concatenate([h, agg], axis=1)
        out = jax.nn.relu(combined @ W)
        norm = jnp.linalg.norm(out, axis=1, keepdims=True)
        return out / jnp.maximum(norm, 1e-12)               # F.normalize

    h = layer(x, W1)
    h = layer(h, W2)
    return h

if __name__ == "__main__":
    import jax
    _d = setup_inputs()
    print(jax.jit(kernel)(*tuple(_d.values())))

</pallas_src>

<mosaic_0001>
#map = affine_map<(d0, d1) -> (0)>
#map1 = affine_map<(d0, d1) -> (0, 0)>
#map2 = affine_map<(d0, d1) -> (0, 0, 0)>
module attributes {stable_mosaic.version = 14 : i64} {
  func.func @_sc_deg_body(%arg0: i32, %arg1: i32, %arg2: memref<327680xi32, #tpu.memory_space<hbm>>, %arg3: memref<128x128xf32, #tpu.memory_space<hbm>>, %arg4: memref<640x128xf32, #tpu.memory_space<hbm>>, %arg5: memref<2x10240x128xf32, #tpu.memory_space<hbm>>, %arg6: memref<128xi32, #tpu.memory_space<vmem>>, %arg7: memref<128x128xf32, #tpu.memory_space<vmem>>, %arg8: memref<10240x128xf32, #tpu.memory_space<vmem_shared>>) attributes {dimension_semantics = [#tpu.dimension_semantics<core_parallel>, #tpu.dimension_semantics<subcore_parallel>], iteration_bounds = array<i64: 2, 16>, scalar_prefetch = 0 : i64, scratch_operands = 3 : i64, tpu.core_type = #tpu.core_type<sc_vector_subcore>, window_params = [{transform_indices = #map}, {transform_indices = #map1}, {transform_indices = #map1}, {transform_indices = #map2}]} {
    %mul3A = arith.constant 16 : i32
    %mul3A_0 = arith.muli %arg0, %mul3A : i32
    %add3A = arith.addi %mul3A_0, %arg1 : i32
    %mul3A_1 = arith.constant 640 : i32
    %mul3A_2 = arith.muli %arg1, %mul3A_1 : i32
    "tpu.region"() ({
      %run_scoped3A = tpu.sem_alloc : memref<!tpu.dma_semaphore, #tpu.memory_space<semaphore_mem>>
      %dma_start3A = arith.constant 0 : i32
      %dma_start3A_15 = tpu.memref_slice %arg8[%mul3A_2, %dma_start3A] : memref<10240x128xf32, #tpu.memory_space<vmem_shared>> -> memref<640x128xf32, #tpu.memory_space<vmem_shared>>
      tpu.enqueue_dma source(%arg4 : memref<640x128xf32, #tpu.memory_space<hbm>>) target(%dma_start3A_15 : memref<640x128xf32, #tpu.memory_space<vmem_shared>>) target_semaphore(%run_scoped3A : memref<!tpu.dma_semaphore, #tpu.memory_space<semaphore_mem>>)
      %dma_wait3A = arith.constant 0 : i32
      %dma_wait3A_16 = tpu.memref_slice %arg8[%mul3A_2, %dma_wait3A] : memref<10240x128xf32, #tpu.memory_space<vmem_shared>> -> memref<640x128xf32, #tpu.memory_space<vmem_shared>>
      tpu.wait_dma2 semaphore(%run_scoped3A : memref<!tpu.dma_semaphore, #tpu.memory_space<semaphore_mem>>) src(%arg4 : memref<640x128xf32, #tpu.memory_space<hbm>>) dst(%dma_wait3A_16 : memref<640x128xf32, #tpu.memory_space<vmem_shared>>)
      tpu.yield
    }) : () -> ()
    "tpu.region"() ({
      %run_scoped3A = tpu.sem_alloc : memref<!tpu.dma_semaphore, #tpu.memory_space<semaphore_mem>>
      tpu.enqueue_dma source(%arg3 : memref<128x128xf32, #tpu.memory_space<hbm>>) target(%arg7 : memref<128x128xf32, #tpu.memory_space<vmem>>) target_semaphore(%run_scoped3A : memref<!tpu.dma_semaphore, #tpu.memory_space<semaphore_mem>>)
      tpu.wait_dma2 semaphore(%run_scoped3A : memref<!tpu.dma_semaphore, #tpu.memory_space<semaphore_mem>>) src(%arg3 : memref<128x128xf32, #tpu.memory_space<hbm>>) dst(%arg7 : memref<128x128xf32, #tpu.memory_space<vmem>>)
      tpu.yield
    }) : () -> ()
    %barrier3A = arith.constant 0 : index
    tpu.barrier barrier_id(%barrier3A)
    %mul3A_3 = arith.constant 10240 : i32
    %mul3A_4 = arith.muli %add3A, %mul3A_3 : i32
    %scan3A = arith.constant 0 : i32
    %scan3A_5 = arith.constant 0 : i32
    %scan3A_6 = arith.constant 80 : i32
    %scan3A_7 = arith.addi %scan3A_5, %scan3A_6 : i32
    %scan3A_8 = arith.constant 1 : i32
    scf.for %scan3A_15 = %scan3A_5 to %scan3A_7 step %scan3A_8  : i32 {
      %mul3A_16 = arith.constant 128 : i32
      %mul3A_17 = arith.muli %scan3A_15, %mul3A_16 : i32
      %add3A_18 = arith.addi %mul3A_4, %mul3A_17 : i32
      "tpu.region"() ({
        %run_scoped3A = tpu.sem_alloc : memref<!tpu.dma_semaphore, #tpu.memory_space<semaphore_mem>>
        %dma_start3A = tpu.memref_slice %arg2[%add3A_18] : memref<327680xi32, #tpu.memory_space<hbm>> -> memref<128xi32, #tpu.memory_space<hbm>>
        %dma_start3A_19 = tpu.memref_slice %arg2[%add3A_18] : memref<327680xi32, #tpu.memory_space<hbm>> -> memref<128xi32, #tpu.memory_space<hbm>>
        tpu.enqueue_dma source(%dma_start3A_19 : memref<128xi32, #tpu.memory_space<hbm>>) target(%arg6 : memref<128xi32, #tpu.memory_space<vmem>>) target_semaphore(%run_scoped3A : memref<!tpu.dma_semaphore, #tpu.memory_space<semaphore_mem>>)
        %dma_wait3A = tpu.memref_slice %arg2[%add3A_18] : memref<327680xi32, #tpu.memory_space<hbm>> -> memref<128xi32, #tpu.memory_space<hbm>>
        %dma_wait3A_20 = tpu.memref_slice %arg2[%add3A_18] : memref<327680xi32, #tpu.memory_space<hbm>> -> memref<128xi32, #tpu.memory_space<hbm>>
        tpu.wait_dma2 semaphore(%run_scoped3A : memref<!tpu.dma_semaphore, #tpu.memory_space<semaphore_mem>>) src(%dma_wait3A_20 : memref<128xi32, #tpu.memory_space<hbm>>) dst(%arg6 : memref<128xi32, #tpu.memory_space<vmem>>)
        tpu.yield
      }) : () -> ()
      "tpu.region"() ({
        %run_scoped3A = tpu.sem_alloc : memref<!tpu.dma_semaphore, #tpu.memory_space<semaphore_mem>>
        %dma_start3A = arith.constant 0 : i32
        %dma_start3A_19 = arith.constant 0 : i32
        %dma_start3A_20 = tpu.memref_slice %arg8[%dma_start3A, %dma_start3A_19] : memref<10240x128xf32, #tpu.memory_space<vmem_shared>> -> memref<10240x128xf32, #tpu.memory_space<vmem_shared>>
        tpu.enqueue_indirect_dma source(%arg7 : memref<128x128xf32, #tpu.memory_space<vmem>>) target(%dma_start3A_20 : memref<10240x128xf32, #tpu.memory_space<vmem_shared>>) offsets(%arg6 : memref<128xi32, #tpu.memory_space<vmem>>) semaphore(%run_scoped3A : memref<!tpu.dma_semaphore, #tpu.memory_space<semaphore_mem>>) {add = true}
        %dma_wait3A = arith.constant 0 : i32
        %dma_wait3A_21 = arith.constant 0 : i32
        %dma_wait3A_22 = tpu.memref_slice %arg8[%dma_wait3A, %dma_wait3A_21] : memref<10240x128xf32, #tpu.memory_space<vmem_shared>> -> memref<10240x128xf32, #tpu.memory_space<vmem_shared>>
        tpu.wait_indirect_dma semaphore(%run_scoped3A : memref<!tpu.dma_semaphore, #tpu.memory_space<semaphore_mem>>) src(%arg7 : memref<128x128xf32, #tpu.memory_space<vmem>>) dst(%dma_wait3A_22 : memref<10240x128xf32, #tpu.memory_space<vmem_shared>>)
        tpu.yield
      }) : () -> ()
    }
    %scan3A_9 = arith.constant 80 : i32
    %barrier3A_10 = arith.constant 0 : index
    tpu.barrier barrier_id(%barrier3A_10)
    %mul3A_11 = arith.constant 640 : i32
    %mul3A_12 = arith.muli %arg1, %mul3A_11 : i32
    %mul3A_13 = arith.constant 640 : i32
    %mul3A_14 = arith.muli %arg1, %mul3A_13 : i32
    "tpu.region"() ({
      %run_scoped3A = tpu.sem_alloc : memref<!tpu.dma_semaphore, #tpu.memory_space<semaphore_mem>>
      %dma_start3A = arith.constant 0 : i32
      %dma_start3A_15 = tpu.memref_slice %arg5[%arg0, %mul3A_14, %dma_start3A] : memref<2x10240x128xf32, #tpu.memory_space<hbm>> -> memref<1x640x128xf32, #tpu.memory_space<hbm>>
      %dma_start3A_16 = tpu.memref_squeeze %dma_start3A_15 : memref<1x640x128xf32, #tpu.memory_space<hbm>> -> memref<640x128xf32, #tpu.memory_space<hbm>>
      %dma_start3A_17 = arith.constant 0 : i32
      %dma_start3A_18 = tpu.memref_slice %arg8[%mul3A_12, %dma_start3A_17] : memref<10240x128xf32, #tpu.memory_space<vmem_shared>> -> memref<640x128xf32, #tpu.memory_space<vmem_shared>>
      tpu.enqueue_dma source(%dma_start3A_18 : memref<640x128xf32, #tpu.memory_space<vmem_shared>>) target(%dma_start3A_16 : memref<640x128xf32, #tpu.memory_space<hbm>>) target_semaphore(%run_scoped3A : memref<!tpu.dma_semaphore, #tpu.memory_space<semaphore_mem>>)
      %dma_wait3A = arith.constant 0 : i32
      %dma_wait3A_19 = tpu.memref_slice %arg5[%arg0, %mul3A_14, %dma_wait3A] : memref<2x10240x128xf32, #tpu.memory_space<hbm>> -> memref<1x640x128xf32, #tpu.memory_space<hbm>>
      %dma_wait3A_20 = tpu.memref_squeeze %dma_wait3A_19 : memref<1x640x128xf32, #tpu.memory_space<hbm>> -> memref<640x128xf32, #tpu.memory_space<hbm>>
      %dma_wait3A_21 = arith.constant 0 : i32
      %dma_wait3A_22 = tpu.memref_slice %arg8[%mul3A_12, %dma_wait3A_21] : memref<10240x128xf32, #tpu.memory_space<vmem_shared>> -> memref<640x128xf32, #tpu.memory_space<vmem_shared>>
      tpu.wait_dma2 semaphore(%run_scoped3A : memref<!tpu.dma_semaphore, #tpu.memory_space<semaphore_mem>>) src(%dma_wait3A_22 : memref<640x128xf32, #tpu.memory_space<vmem_shared>>) dst(%dma_wait3A_20 : memref<640x128xf32, #tpu.memory_space<hbm>>)
      tpu.yield
    }) : () -> ()
    return
  }
}

#map = affine_map<(d0, d1) -> (0, 0)>
#map1 = affine_map<(d0, d1) -> (0)>
#map2 = affine_map<(d0, d1) -> (0, 0, 0)>
module attributes {stable_mosaic.version = 14 : i64} {
  func.func @_sc_agg_body(%arg0: i32, %arg1: i32, %arg2: memref<10000x128xf32, #tpu.memory_space<hbm>>, %arg3: memref<327680xi32, #tpu.memory_space<hbm>>, %arg4: memref<327680xi32, #tpu.memory_space<hbm>>, %arg5: memref<640x128xf32, #tpu.memory_space<hbm>>, %arg6: memref<2x10240x128xf32, #tpu.memory_space<hbm>>, %arg7: memref<128xi32, #tpu.memory_space<vmem>>, %arg8: memref<128xi32, #tpu.memory_space<vmem>>, %arg9: memref<128xi32, #tpu.memory_space<vmem>>, %arg10: memref<128xi32, #tpu.memory_space<vmem>>, %arg11: memref<128x128xf32, #tpu.memory_space<vmem>>, %arg12: memref<128x128xf32, #tpu.memory_space<vmem>>, %arg13: memref<10240x128xf32, #tpu.memory_space<vmem_shared>>, %arg14: memref<!tpu.dma_semaphore, #tpu.memory_space<semaphore_mem>>) attributes {dimension_semantics = [#tpu.dimension_semantics<core_parallel>, #tpu.dimension_semantics<subcore_parallel>], iteration_bounds = array<i64: 2, 16>, scalar_prefetch = 0 : i64, scratch_operands = 8 : i64, tpu.core_type = #tpu.core_type<sc_vector_subcore>, window_params = [{transform_indices = #map}, {transform_indices = #map1}, {transform_indices = #map1}, {transform_indices = #map}, {transform_indices = #map2}]} {
    %mul3A = arith.constant 16 : i32
    %mul3A_0 = arith.muli %arg0, %mul3A : i32
    %add3A = arith.addi %mul3A_0, %arg1 : i32
    %mul3A_1 = arith.constant 640 : i32
    %mul3A_2 = arith.muli %arg1, %mul3A_1 : i32
    "tpu.region"() ({
      %run_scoped3A = tpu.sem_alloc : memref<!tpu.dma_semaphore, #tpu.memory_space<semaphore_mem>>
      %dma_start3A = arith.constant 0 : i32
      %dma_start3A_15 = tpu.memref_slice %arg13[%mul3A_2, %dma_start3A] : memref<10240x128xf32, #tpu.memory_space<vmem_shared>> -> memref<640x128xf32, #tpu.memory_space<vmem_shared>>
      tpu.enqueue_dma source(%arg5 : memref<640x128xf32, #tpu.memory_space<hbm>>) target(%dma_start3A_15 : memref<640x128xf32, #tpu.memory_space<vmem_shared>>) target_semaphore(%run_scoped3A : memref<!tpu.dma_semaphore, #tpu.memory_space<semaphore_mem>>)
      %dma_wait3A = arith.constant 0 : i32
      %dma_wait3A_16 = tpu.memref_slice %arg13[%mul3A_2, %dma_wait3A] : memref<10240x128xf32, #tpu.memory_space<vmem_shared>> -> memref<640x128xf32, #tpu.memory_space<vmem_shared>>
      tpu.wait_dma2 semaphore(%run_scoped3A : memref<!tpu.dma_semaphore, #tpu.memory_space<semaphore_mem>>) src(%arg5 : memref<640x128xf32, #tpu.memory_space<hbm>>) dst(%dma_wait3A_16 : memref<640x128xf32, #tpu.memory_space<vmem_shared>>)
      tpu.yield
    }) : () -> ()
    %barrier3A = arith.constant 0 : index
    tpu.barrier barrier_id(%barrier3A)
    %mul3A_3 = arith.constant 10240 : i32
    %mul3A_4 = arith.muli %add3A, %mul3A_3 : i32
    "tpu.region"() ({
      %run_scoped3A = tpu.sem_alloc : memref<!tpu.dma_semaphore, #tpu.memory_space<semaphore_mem>>
      %dma_start3A = tpu.memref_slice %arg3[%mul3A_4] : memref<327680xi32, #tpu.memory_space<hbm>> -> memref<128xi32, #tpu.memory_space<hbm>>
      %dma_start3A_15 = tpu.memref_slice %arg3[%mul3A_4] : memref<327680xi32, #tpu.memory_space<hbm>> -> memref<128xi32, #tpu.memory_space<hbm>>
      tpu.enqueue_dma source(%dma_start3A_15 : memref<128xi32, #tpu.memory_space<hbm>>) target(%arg7 : memref<128xi32, #tpu.memory_space<vmem>>) target_semaphore(%run_scoped3A : memref<!tpu.dma_semaphore, #tpu.memory_space<semaphore_mem>>)
      %dma_wait3A = tpu.memref_slice %arg3[%mul3A_4] : memref<327680xi32, #tpu.memory_space<hbm>> -> memref<128xi32, #tpu.memory_space<hbm>>
      %dma_wait3A_16 = tpu.memref_slice %arg3[%mul3A_4] : memref<327680xi32, #tpu.memory_space<hbm>> -> memref<128xi32, #tpu.memory_space<hbm>>
      tpu.wait_dma2 semaphore(%run_scoped3A : memref<!tpu.dma_semaphore, #tpu.memory_space<semaphore_mem>>) src(%dma_wait3A_16 : memref<128xi32, #tpu.memory_space<hbm>>) dst(%arg7 : memref<128xi32, #tpu.memory_space<vmem>>)
      tpu.yield
    }) : () -> ()
    "tpu.region"() ({
      %run_scoped3A = tpu.sem_alloc : memref<!tpu.dma_semaphore, #tpu.memory_space<semaphore_mem>>
      %dma_start3A = arith.constant 0 : i32
      %dma_start3A_15 = arith.constant 0 : i32
      %dma_start3A_16 = tpu.memref_slice %arg2[%dma_start3A, %dma_start3A_15] : memref<10000x128xf32, #tpu.memory_space<hbm>> -> memref<10000x128xf32, #tpu.memory_space<hbm>>
      tpu.enqueue_indirect_dma source(%dma_start3A_16 : memref<10000x128xf32, #tpu.memory_space<hbm>>) target(%arg11 : memref<128x128xf32, #tpu.memory_space<vmem>>) offsets(%arg7 : memref<128xi32, #tpu.memory_space<vmem>>) semaphore(%run_scoped3A : memref<!tpu.dma_semaphore, #tpu.memory_space<semaphore_mem>>)
      %dma_wait3A = arith.constant 0 : i32
      %dma_wait3A_17 = arith.constant 0 : i32
      %dma_wait3A_18 = tpu.memref_slice %arg2[%dma_wait3A, %dma_wait3A_17] : memref<10000x128xf32, #tpu.memory_space<hbm>> -> memref<10000x128xf32, #tpu.memory_space<hbm>>
      tpu.wait_indirect_dma semaphore(%run_scoped3A : memref<!tpu.dma_semaphore, #tpu.memory_space<semaphore_mem>>) src(%dma_wait3A_18 : memref<10000x128xf32, #tpu.memory_space<hbm>>) dst(%arg11 : memref<128x128xf32, #tpu.memory_space<vmem>>)
      tpu.yield
    }) : () -> ()
    %scan3A = arith.constant 0 : i32
    %scan3A_5 = arith.constant 0 : i32
    %scan3A_6 = arith.constant 40 : i32
    %scan3A_7 = arith.addi %scan3A_5, %scan3A_6 : i32
    %scan3A_8 = arith.constant 1 : i32
    scf.for %scan3A_15 = %scan3A_5 to %scan3A_7 step %scan3A_8  : i32 {
      %mul3A_16 = arith.constant 2 : i32
      %mul3A_17 = arith.muli %scan3A_15, %mul3A_16 : i32
      %add3A_18 = arith.constant 1 : i32
      %add3A_19 = arith.addi %mul3A_17, %add3A_18 : i32
      %mul3A_20 = arith.constant 128 : i32
      %mul3A_21 = arith.muli %add3A_19, %mul3A_20 : i32
      %add3A_22 = arith.addi %mul3A_4, %mul3A_21 : i32
      "tpu.region"() ({
        %run_scoped3A = tpu.sem_alloc : memref<!tpu.dma_semaphore, #tpu.memory_space<semaphore_mem>>
        %dma_start3A_47 = tpu.memref_slice %arg3[%add3A_22] : memref<327680xi32, #tpu.memory_space<hbm>> -> memref<128xi32, #tpu.memory_space<hbm>>
        %dma_start3A_48 = tpu.memref_slice %arg3[%add3A_22] : memref<327680xi32, #tpu.memory_space<hbm>> -> memref<128xi32, #tpu.memory_space<hbm>>
        tpu.enqueue_dma source(%dma_start3A_48 : memref<128xi32, #tpu.memory_space<hbm>>) target(%arg8 : memref<128xi32, #tpu.memory_space<vmem>>) target_semaphore(%run_scoped3A : memref<!tpu.dma_semaphore, #tpu.memory_space<semaphore_mem>>)
        %dma_wait3A_49 = tpu.memref_slice %arg3[%add3A_22] : memref<327680xi32, #tpu.memory_space<hbm>> -> memref<128xi32, #tpu.memory_space<hbm>>
        %dma_wait3A_50 = tpu.memref_slice %arg3[%add3A_22] : memref<327680xi32, #tpu.memory_space<hbm>> -> memref<128xi32, #tpu.memory_space<hbm>>
        tpu.wait_dma2 semaphore(%run_scoped3A : memref<!tpu.dma_semaphore, #tpu.memory_space<semaphore_mem>>) src(%dma_wait3A_50 : memref<128xi32, #tpu.memory_space<hbm>>) dst(%arg8 : memref<128xi32, #tpu.memory_space<vmem>>)
        tpu.yield
      }) : () -> ()
      %dma_start3A = arith.constant 0 : i32
      %dma_start3A_23 = arith.constant 0 : i32
      %dma_start3A_24 = tpu.memref_slice %arg2[%dma_start3A, %dma_start3A_23] : memref<10000x128xf32, #tpu.memory_space<hbm>> -> memref<10000x128xf32, #tpu.memory_space<hbm>>
      tpu.enqueue_indirect_dma source(%dma_start3A_24 : memref<10000x128xf32, #tpu.memory_space<hbm>>) target(%arg12 : memref<128x128xf32, #tpu.memory_space<vmem>>) offsets(%arg8 : memref<128xi32, #tpu.memory_space<vmem>>) semaphore(%arg14 : memref<!tpu.dma_semaphore, #tpu.memory_space<semaphore_mem>>)
      %mul3A_25 = arith.constant 128 : i32
      %mul3A_26 = arith.muli %mul3A_17, %mul3A_25 : i32
      %add3A_27 = arith.addi %mul3A_4, %mul3A_26 : i32
      "tpu.region"() ({
        %run_scoped3A = tpu.sem_alloc : memref<!tpu.dma_semaphore, #tpu.memory_space<semaphore_mem>>
        %dma_start3A_47 = tpu.memref_slice %arg4[%add3A_27] : memref<327680xi32, #tpu.memory_space<hbm>> -> memref<128xi32, #tpu.memory_space<hbm>>
        %dma_start3A_48 = tpu.memref_slice %arg4[%add3A_27] : memref<327680xi32, #tpu.memory_space<hbm>> -> memref<128xi32, #tpu.memory_space<hbm>>
        tpu.enqueue_dma source(%dma_start3A_48 : memref<128xi32, #tpu.memory_space<hbm>>) target(%arg9 : memref<128xi32, #tpu.memory_space<vmem>>) target_semaphore(%run_scoped3A : memref<!tpu.dma_semaphore, #tpu.memory_space<semaphore_mem>>)
        %dma_wait3A_49 = tpu.memref_slice %arg4[%add3A_27] : memref<327680xi32, #tpu.memory_space<hbm>> -> memref<128xi32, #tpu.memory_space<hbm>>
        %dma_wait3A_50 = tpu.memref_slice %arg4[%add3A_27] : memref<327680xi32, #tpu.memory_space<hbm>> -> memref<128xi32, #tpu.memory_space<hbm>>
        tpu.wait_dma2 semaphore(%run_scoped3A : memref<!tpu.dma_semaphore, #tpu.memory_space<semaphore_mem>>) src(%dma_wait3A_50 : memref<128xi32, #tpu.memory_space<hbm>>) dst(%arg9 : memref<128xi32, #tpu.memory_space<vmem>>)
        tpu.yield
      }) : () -> ()
      "tpu.region"() ({
        %run_scoped3A = tpu.sem_alloc : memref<!tpu.dma_semaphore, #tpu.memory_space<semaphore_mem>>
        %dma_start3A_47 = arith.constant 0 : i32
        %dma_start3A_48 = arith.constant 0 : i32
        %dma_start3A_49 = tpu.memref_slice %arg13[%dma_start3A_47, %dma_start3A_48] : memref<10240x128xf32, #tpu.memory_space<vmem_shared>> -> memref<10240x128xf32, #tpu.memory_space<vmem_shared>>
        tpu.enqueue_indirect_dma source(%arg11 : memref<128x128xf32, #tpu.memory_space<vmem>>) target(%dma_start3A_49 : memref<10240x128xf32, #tpu.memory_space<vmem_shared>>) offsets(%arg9 : memref<128xi32, #tpu.memory_space<vmem>>) semaphore(%run_scoped3A : memref<!tpu.dma_semaphore, #tpu.memory_space<semaphore_mem>>) {add = true}
        %dma_wait3A_50 = arith.constant 0 : i32
        %dma_wait3A_51 = arith.constant 0 : i32
        %dma_wait3A_52 = tpu.memref_slice %arg13[%dma_wait3A_50, %dma_wait3A_51] : memref<10240x128xf32, #tpu.memory_space<vmem_shared>> -> memref<10240x128xf32, #tpu.memory_space<vmem_shared>>
        tpu.wait_indirect_dma semaphore(%run_scoped3A : memref<!tpu.dma_semaphore, #tpu.memory_space<semaphore_mem>>) src(%arg11 : memref<128x128xf32, #tpu.memory_space<vmem>>) dst(%dma_wait3A_52 : memref<10240x128xf32, #tpu.memory_space<vmem_shared>>)
        tpu.yield
      }) : () -> ()
      %dma_wait3A = arith.constant 0 : i32
      %dma_wait3A_28 = arith.constant 0 : i32
      %dma_wait3A_29 = tpu.memref_slice %arg2[%dma_wait3A, %dma_wait3A_28] : memref<10000x128xf32, #tpu.memory_space<hbm>> -> memref<10000x128xf32, #tpu.memory_space<hbm>>
      tpu.wait_indirect_dma semaphore(%arg14 : memref<!tpu.dma_semaphore, #tpu.memory_space<semaphore_mem>>) src(%dma_wait3A_29 : memref<10000x128xf32, #tpu.memory_space<hbm>>) dst(%arg12 : memref<128x128xf32, #tpu.memory_space<vmem>>)
      %add3A_30 = arith.constant 2 : i32
      %add3A_31 = arith.addi %mul3A_17, %add3A_30 : i32
      %min3A = arith.constant 79 : i32
      %min3A_32 = arith.minsi %add3A_31, %min3A : i32
      %mul3A_33 = arith.constant 128 : i32
      %mul3A_34 = arith.muli %min3A_32, %mul3A_33 : i32
      %add3A_35 = arith.addi %mul3A_4, %mul3A_34 : i32
      "tpu.region"() ({
        %run_scoped3A = tpu.sem_alloc : memref<!tpu.dma_semaphore, #tpu.memory_space<semaphore_mem>>
        %dma_start3A_47 = tpu.memref_slice %arg3[%add3A_35] : memref<327680xi32, #tpu.memory_space<hbm>> -> memref<128xi32, #tpu.memory_space<hbm>>
        %dma_start3A_48 = tpu.memref_slice %arg3[%add3A_35] : memref<327680xi32, #tpu.memory_space<hbm>> -> memref<128xi32, #tpu.memory_space<hbm>>
        tpu.enqueue_dma source(%dma_start3A_48 : memref<128xi32, #tpu.memory_space<hbm>>) target(%arg7 : memref<128xi32, #tpu.memory_space<vmem>>) target_semaphore(%run_scoped3A : memref<!tpu.dma_semaphore, #tpu.memory_space<semaphore_mem>>)
        %dma_wait3A_49 = tpu.memref_slice %arg3[%add3A_35] : memref<327680xi32, #tpu.memory_space<hbm>> -> memref<128xi32, #tpu.memory_space<hbm>>
        %dma_wait3A_50 = tpu.memref_slice %arg3[%add3A_35] : memref<327680xi32, #tpu.memory_space<hbm>> -> memref<128xi32, #tpu.memory_space<hbm>>
        tpu.wait_dma2 semaphore(%run_scoped3A : memref<!tpu.dma_semaphore, #tpu.memory_space<semaphore_mem>>) src(%dma_wait3A_50 : memref<128xi32, #tpu.memory_space<hbm>>) dst(%arg7 : memref<128xi32, #tpu.memory_space<vmem>>)
        tpu.yield
      }) : () -> ()
      %dma_start3A_36 = arith.constant 0 : i32
      %dma_start3A_37 = arith.constant 0 : i32
      %dma_start3A_38 = tpu.memref_slice %arg2[%dma_start3A_36, %dma_start3A_37] : memref<10000x128xf32, #tpu.memory_space<hbm>> -> memref<10000x128xf32, #tpu.memory_space<hbm>>
      tpu.enqueue_indirect_dma source(%dma_start3A_38 : memref<10000x128xf32, #tpu.memory_space<hbm>>) target(%arg11 : memref<128x128xf32, #tpu.memory_space<vmem>>) offsets(%arg7 : memref<128xi32, #tpu.memory_space<vmem>>) semaphore(%arg14 : memref<!tpu.dma_semaphore, #tpu.memory_space<semaphore_mem>>)
      %add3A_39 = arith.constant 1 : i32
      %add3A_40 = arith.addi %mul3A_17, %add3A_39 : i32
      %mul3A_41 = arith.constant 128 : i32
      %mul3A_42 = arith.muli %add3A_40, %mul3A_41 : i32
      %add3A_43 = arith.addi %mul3A_4, %mul3A_42 : i32
      "tpu.region"() ({
        %run_scoped3A = tpu.sem_alloc : memref<!tpu.dma_semaphore, #tpu.memory_space<semaphore_mem>>
        %dma_start3A_47 = tpu.memref_slice %arg4[%add3A_43] : memref<327680xi32, #tpu.memory_space<hbm>> -> memref<128xi32, #tpu.memory_space<hbm>>
        %dma_start3A_48 = tpu.memref_slice %arg4[%add3A_43] : memref<327680xi32, #tpu.memory_space<hbm>> -> memref<128xi32, #tpu.memory_space<hbm>>
        tpu.enqueue_dma source(%dma_start3A_48 : memref<128xi32, #tpu.memory_space<hbm>>) target(%arg10 : memref<128xi32, #tpu.memory_space<vmem>>) target_semaphore(%run_scoped3A : memref<!tpu.dma_semaphore, #tpu.memory_space<semaphore_mem>>)
        %dma_wait3A_49 = tpu.memref_slice %arg4[%add3A_43] : memref<327680xi32, #tpu.memory_space<hbm>> -> memref<128xi32, #tpu.memory_space<hbm>>
        %dma_wait3A_50 = tpu.memref_slice %arg4[%add3A_43] : memref<327680xi32, #tpu.memory_space<hbm>> -> memref<128xi32, #tpu.memory_space<hbm>>
        tpu.wait_dma2 semaphore(%run_scoped3A : memref<!tpu.dma_semaphore, #tpu.memory_space<semaphore_mem>>) src(%dma_wait3A_50 : memref<128xi32, #tpu.memory_space<hbm>>) dst(%arg10 : memref<128xi32, #tpu.memory_space<vmem>>)
        tpu.yield
      }) : () -> ()
      "tpu.region"() ({
        %run_scoped3A = tpu.sem_alloc : memref<!tpu.dma_semaphore, #tpu.memory_space<semaphore_mem>>
        %dma_start3A_47 = arith.constant 0 : i32
        %dma_start3A_48 = arith.constant 0 : i32
        %dma_start3A_49 = tpu.memref_slice %arg13[%dma_start3A_47, %dma_start3A_48] : memref<10240x128xf32, #tpu.memory_space<vmem_shared>> -> memref<10240x128xf32, #tpu.memory_space<vmem_shared>>
        tpu.enqueue_indirect_dma source(%arg12 : memref<128x128xf32, #tpu.memory_space<vmem>>) target(%dma_start3A_49 : memref<10240x128xf32, #tpu.memory_space<vmem_shared>>) offsets(%arg10 : memref<128xi32, #tpu.memory_space<vmem>>) semaphore(%run_scoped3A : memref<!tpu.dma_semaphore, #tpu.memory_space<semaphore_mem>>) {add = true}
        %dma_wait3A_50 = arith.constant 0 : i32
        %dma_wait3A_51 = arith.constant 0 : i32
        %dma_wait3A_52 = tpu.memref_slice %arg13[%dma_wait3A_50, %dma_wait3A_51] : memref<10240x128xf32, #tpu.memory_space<vmem_shared>> -> memref<10240x128xf32, #tpu.memory_space<vmem_shared>>
        tpu.wait_indirect_dma semaphore(%run_scoped3A : memref<!tpu.dma_semaphore, #tpu.memory_space<semaphore_mem>>) src(%arg12 : memref<128x128xf32, #tpu.memory_space<vmem>>) dst(%dma_wait3A_52 : memref<10240x128xf32, #tpu.memory_space<vmem_shared>>)
        tpu.yield
      }) : () -> ()
      %dma_wait3A_44 = arith.constant 0 : i32
      %dma_wait3A_45 = arith.constant 0 : i32
      %dma_wait3A_46 = tpu.memref_slice %arg2[%dma_wait3A_44, %dma_wait3A_45] : memref<10000x128xf32, #tpu.memory_space<hbm>> -> memref<10000x128xf32, #tpu.memory_space<hbm>>
      tpu.wait_indirect_dma semaphore(%arg14 : memref<!tpu.dma_semaphore, #tpu.memory_space<semaphore_mem>>) src(%dma_wait3A_46 : memref<10000x128xf32, #tpu.memory_space<hbm>>) dst(%arg11 : memref<128x128xf32, #tpu.memory_space<vmem>>)
    }
    %scan3A_9 = arith.constant 40 : i32
    %barrier3A_10 = arith.constant 0 : index
    tpu.barrier barrier_id(%barrier3A_10)
    %mul3A_11 = arith.constant 640 : i32
    %mul3A_12 = arith.muli %arg1, %mul3A_11 : i32
    %mul3A_13 = arith.constant 640 : i32
    %mul3A_14 = arith.muli %arg1, %mul3A_13 : i32
    "tpu.region"() ({
      %run_scoped3A = tpu.sem_alloc : memref<!tpu.dma_semaphore, #tpu.memory_space<semaphore_mem>>
      %dma_start3A = arith.constant 0 : i32
      %dma_start3A_15 = tpu.memref_slice %arg6[%arg0, %mul3A_14, %dma_start3A] : memref<2x10240x128xf32, #tpu.memory_space<hbm>> -> memref<1x640x128xf32, #tpu.memory_space<hbm>>
      %dma_start3A_16 = tpu.memref_squeeze %dma_start3A_15 : memref<1x640x128xf32, #tpu.memory_space<hbm>> -> memref<640x128xf32, #tpu.memory_space<hbm>>
      %dma_start3A_17 = arith.constant 0 : i32
      %dma_start3A_18 = tpu.memref_slice %arg13[%mul3A_12, %dma_start3A_17] : memref<10240x128xf32, #tpu.memory_space<vmem_shared>> -> memref<640x128xf32, #tpu.memory_space<vmem_shared>>
      tpu.enqueue_dma source(%dma_start3A_18 : memref<640x128xf32, #tpu.memory_space<vmem_shared>>) target(%dma_start3A_16 : memref<640x128xf32, #tpu.memory_space<hbm>>) target_semaphore(%run_scoped3A : memref<!tpu.dma_semaphore, #tpu.memory_space<semaphore_mem>>)
      %dma_wait3A = arith.constant 0 : i32
      %dma_wait3A_19 = tpu.memref_slice %arg6[%arg0, %mul3A_14, %dma_wait3A] : memref<2x10240x128xf32, #tpu.memory_space<hbm>> -> memref<1x640x128xf32, #tpu.memory_space<hbm>>
      %dma_wait3A_20 = tpu.memref_squeeze %dma_wait3A_19 : memref<1x640x128xf32, #tpu.memory_space<hbm>> -> memref<640x128xf32, #tpu.memory_space<hbm>>
      %dma_wait3A_21 = arith.constant 0 : i32
      %dma_wait3A_22 = tpu.memref_slice %arg13[%mul3A_12, %dma_wait3A_21] : memref<10240x128xf32, #tpu.memory_space<vmem_shared>> -> memref<640x128xf32, #tpu.memory_space<vmem_shared>>
      tpu.wait_dma2 semaphore(%run_scoped3A : memref<!tpu.dma_semaphore, #tpu.memory_space<semaphore_mem>>) src(%dma_wait3A_22 : memref<640x128xf32, #tpu.memory_space<vmem_shared>>) dst(%dma_wait3A_20 : memref<640x128xf32, #tpu.memory_space<hbm>>)
      tpu.yield
    }) : () -> ()
    return
  }
}

#map = affine_map<(d0, d1) -> (0, 0)>
#map1 = affine_map<(d0, d1) -> (0)>
#map2 = affine_map<(d0, d1) -> (0, 0, 0)>
module attributes {stable_mosaic.version = 14 : i64} {
  func.func @_sc_agg_body(%arg0: i32, %arg1: i32, %arg2: memref<10000x128xf32, #tpu.memory_space<hbm>>, %arg3: memref<327680xi32, #tpu.memory_space<hbm>>, %arg4: memref<327680xi32, #tpu.memory_space<hbm>>, %arg5: memref<640x128xf32, #tpu.memory_space<hbm>>, %arg6: memref<2x10240x128xf32, #tpu.memory_space<hbm>>, %arg7: memref<128xi32, #tpu.memory_space<vmem>>, %arg8: memref<128xi32, #tpu.memory_space<vmem>>, %arg9: memref<128xi32, #tpu.memory_space<vmem>>, %arg10: memref<128xi32, #tpu.memory_space<vmem>>, %arg11: memref<128x128xf32, #tpu.memory_space<vmem>>, %arg12: memref<128x128xf32, #tpu.memory_space<vmem>>, %arg13: memref<10240x128xf32, #tpu.memory_space<vmem_shared>>, %arg14: memref<!tpu.dma_semaphore, #tpu.memory_space<semaphore_mem>>) attributes {dimension_semantics = [#tpu.dimension_semantics<core_parallel>, #tpu.dimension_semantics<subcore_parallel>], iteration_bounds = array<i64: 2, 16>, scalar_prefetch = 0 : i64, scratch_operands = 8 : i64, tpu.core_type = #tpu.core_type<sc_vector_subcore>, window_params = [{transform_indices = #map}, {transform_indices = #map1}, {transform_indices = #map1}, {transform_indices = #map}, {transform_indices = #map2}]} {
    %mul3A = arith.constant 16 : i32
    %mul3A_0 = arith.muli %arg0, %mul3A : i32
    %add3A = arith.addi %mul3A_0, %arg1 : i32
    %mul3A_1 = arith.constant 640 : i32
    %mul3A_2 = arith.muli %arg1, %mul3A_1 : i32
    "tpu.region"() ({
      %run_scoped3A = tpu.sem_alloc : memref<!tpu.dma_semaphore, #tpu.memory_space<semaphore_mem>>
      %dma_start3A = arith.constant 0 : i32
      %dma_start3A_15 = tpu.memref_slice %arg13[%mul3A_2, %dma_start3A] : memref<10240x128xf32, #tpu.memory_space<vmem_shared>> -> memref<640x128xf32, #tpu.memory_space<vmem_shared>>
      tpu.enqueue_dma source(%arg5 : memref<640x128xf32, #tpu.memory_space<hbm>>) target(%dma_start3A_15 : memref<640x128xf32, #tpu.memory_space<vmem_shared>>) target_semaphore(%run_scoped3A : memref<!tpu.dma_semaphore, #tpu.memory_space<semaphore_mem>>)
      %dma_wait3A = arith.constant 0 : i32
      %dma_wait3A_16 = tpu.memref_slice %arg13[%mul3A_2, %dma_wait3A] : memref<10240x128xf32, #tpu.memory_space<vmem_shared>> -> memref<640x128xf32, #tpu.memory_space<vmem_shared>>
      tpu.wait_dma2 semaphore(%run_scoped3A : memref<!tpu.dma_semaphore, #tpu.memory_space<semaphore_mem>>) src(%arg5 : memref<640x128xf32, #tpu.memory_space<hbm>>) dst(%dma_wait3A_16 : memref<640x128xf32, #tpu.memory_space<vmem_shared>>)
      tpu.yield
    }) : () -> ()
    %barrier3A = arith.constant 0 : index
    tpu.barrier barrier_id(%barrier3A)
    %mul3A_3 = arith.constant 10240 : i32
    %mul3A_4 = arith.muli %add3A, %mul3A_3 : i32
    "tpu.region"() ({
      %run_scoped3A = tpu.sem_alloc : memref<!tpu.dma_semaphore, #tpu.memory_space<semaphore_mem>>
      %dma_start3A = tpu.memref_slice %arg3[%mul3A_4] : memref<327680xi32, #tpu.memory_space<hbm>> -> memref<128xi32, #tpu.memory_space<hbm>>
      %dma_start3A_15 = tpu.memref_slice %arg3[%mul3A_4] : memref<327680xi32, #tpu.memory_space<hbm>> -> memref<128xi32, #tpu.memory_space<hbm>>
      tpu.enqueue_dma source(%dma_start3A_15 : memref<128xi32, #tpu.memory_space<hbm>>) target(%arg7 : memref<128xi32, #tpu.memory_space<vmem>>) target_semaphore(%run_scoped3A : memref<!tpu.dma_semaphore, #tpu.memory_space<semaphore_mem>>)
      %dma_wait3A = tpu.memref_slice %arg3[%mul3A_4] : memref<327680xi32, #tpu.memory_space<hbm>> -> memref<128xi32, #tpu.memory_space<hbm>>
      %dma_wait3A_16 = tpu.memref_slice %arg3[%mul3A_4] : memref<327680xi32, #tpu.memory_space<hbm>> -> memref<128xi32, #tpu.memory_space<hbm>>
      tpu.wait_dma2 semaphore(%run_scoped3A : memref<!tpu.dma_semaphore, #tpu.memory_space<semaphore_mem>>) src(%dma_wait3A_16 : memref<128xi32, #tpu.memory_space<hbm>>) dst(%arg7 : memref<128xi32, #tpu.memory_space<vmem>>)
      tpu.yield
    }) : () -> ()
    "tpu.region"() ({
      %run_scoped3A = tpu.sem_alloc : memref<!tpu.dma_semaphore, #tpu.memory_space<semaphore_mem>>
      %dma_start3A = arith.constant 0 : i32
      %dma_start3A_15 = arith.constant 0 : i32
      %dma_start3A_16 = tpu.memref_slice %arg2[%dma_start3A, %dma_start3A_15] : memref<10000x128xf32, #tpu.memory_space<hbm>> -> memref<10000x128xf32, #tpu.memory_space<hbm>>
      tpu.enqueue_indirect_dma source(%dma_start3A_16 : memref<10000x128xf32, #tpu.memory_space<hbm>>) target(%arg11 : memref<128x128xf32, #tpu.memory_space<vmem>>) offsets(%arg7 : memref<128xi32, #tpu.memory_space<vmem>>) semaphore(%run_scoped3A : memref<!tpu.dma_semaphore, #tpu.memory_space<semaphore_mem>>)
      %dma_wait3A = arith.constant 0 : i32
      %dma_wait3A_17 = arith.constant 0 : i32
      %dma_wait3A_18 = tpu.memref_slice %arg2[%dma_wait3A, %dma_wait3A_17] : memref<10000x128xf32, #tpu.memory_space<hbm>> -> memref<10000x128xf32, #tpu.memory_space<hbm>>
      tpu.wait_indirect_dma semaphore(%run_scoped3A : memref<!tpu.dma_semaphore, #tpu.memory_space<semaphore_mem>>) src(%dma_wait3A_18 : memref<10000x128xf32, #tpu.memory_space<hbm>>) dst(%arg11 : memref<128x128xf32, #tpu.memory_space<vmem>>)
      tpu.yield
    }) : () -> ()
    %scan3A = arith.constant 0 : i32
    %scan3A_5 = arith.constant 0 : i32
    %scan3A_6 = arith.constant 40 : i32
    %scan3A_7 = arith.addi %scan3A_5, %scan3A_6 : i32
    %scan3A_8 = arith.constant 1 : i32
    scf.for %scan3A_15 = %scan3A_5 to %scan3A_7 step %scan3A_8  : i32 {
      %mul3A_16 = arith.constant 2 : i32
      %mul3A_17 = arith.muli %scan3A_15, %mul3A_16 : i32
      %add3A_18 = arith.constant 1 : i32
      %add3A_19 = arith.addi %mul3A_17, %add3A_18 : i32
      %mul3A_20 = arith.constant 128 : i32
      %mul3A_21 = arith.muli %add3A_19, %mul3A_20 : i32
      %add3A_22 = arith.addi %mul3A_4, %mul3A_21 : i32
      "tpu.region"() ({
        %run_scoped3A = tpu.sem_alloc : memref<!tpu.dma_semaphore, #tpu.memory_space<semaphore_mem>>
        %dma_start3A_47 = tpu.memref_slice %arg3[%add3A_22] : memref<327680xi32, #tpu.memory_space<hbm>> -> memref<128xi32, #tpu.memory_space<hbm>>
        %dma_start3A_48 = tpu.memref_slice %arg3[%add3A_22] : memref<327680xi32, #tpu.memory_space<hbm>> -> memref<128xi32, #tpu.memory_space<hbm>>
        tpu.enqueue_dma source(%dma_start3A_48 : memref<128xi32, #tpu.memory_space<hbm>>) target(%arg8 : memref<128xi32, #tpu.memory_space<vmem>>) target_semaphore(%run_scoped3A : memref<!tpu.dma_semaphore, #tpu.memory_space<semaphore_mem>>)
        %dma_wait3A_49 = tpu.memref_slice %arg3[%add3A_22] : memref<327680xi32, #tpu.memory_space<hbm>> -> memref<128xi32, #tpu.memory_space<hbm>>
        %dma_wait3A_50 = tpu.memref_slice %arg3[%add3A_22] : memref<327680xi32, #tpu.memory_space<hbm>> -> memref<128xi32, #tpu.memory_space<hbm>>
        tpu.wait_dma2 semaphore(%run_scoped3A : memref<!tpu.dma_semaphore, #tpu.memory_space<semaphore_mem>>) src(%dma_wait3A_50 : memref<128xi32, #tpu.memory_space<hbm>>) dst(%arg8 : memref<128xi32, #tpu.memory_space<vmem>>)
        tpu.yield
      }) : () -> ()
      %dma_start3A = arith.constant 0 : i32
      %dma_start3A_23 = arith.constant 0 : i32
      %dma_start3A_24 = tpu.memref_slice %arg2[%dma_start3A, %dma_start3A_23] : memref<10000x128xf32, #tpu.memory_space<hbm>> -> memref<10000x128xf32, #tpu.memory_space<hbm>>
      tpu.enqueue_indirect_dma source(%dma_start3A_24 : memref<10000x128xf32, #tpu.memory_space<hbm>>) target(%arg12 : memref<128x128xf32, #tpu.memory_space<vmem>>) offsets(%arg8 : memref<128xi32, #tpu.memory_space<vmem>>) semaphore(%arg14 : memref<!tpu.dma_semaphore, #tpu.memory_space<semaphore_mem>>)
      %mul3A_25 = arith.constant 128 : i32
      %mul3A_26 = arith.muli %mul3A_17, %mul3A_25 : i32
      %add3A_27 = arith.addi %mul3A_4, %mul3A_26 : i32
      "tpu.region"() ({
        %run_scoped3A = tpu.sem_alloc : memref<!tpu.dma_semaphore, #tpu.memory_space<semaphore_mem>>
        %dma_start3A_47 = tpu.memref_slice %arg4[%add3A_27] : memref<327680xi32, #tpu.memory_space<hbm>> -> memref<128xi32, #tpu.memory_space<hbm>>
        %dma_start3A_48 = tpu.memref_slice %arg4[%add3A_27] : memref<327680xi32, #tpu.memory_space<hbm>> -> memref<128xi32, #tpu.memory_space<hbm>>
        tpu.enqueue_dma source(%dma_start3A_48 : memref<128xi32, #tpu.memory_space<hbm>>) target(%arg9 : memref<128xi32, #tpu.memory_space<vmem>>) target_semaphore(%run_scoped3A : memref<!tpu.dma_semaphore, #tpu.memory_space<semaphore_mem>>)
        %dma_wait3A_49 = tpu.memref_slice %arg4[%add3A_27] : memref<327680xi32, #tpu.memory_space<hbm>> -> memref<128xi32, #tpu.memory_space<hbm>>
        %dma_wait3A_50 = tpu.memref_slice %arg4[%add3A_27] : memref<327680xi32, #tpu.memory_space<hbm>> -> memref<128xi32, #tpu.memory_space<hbm>>
        tpu.wait_dma2 semaphore(%run_scoped3A : memref<!tpu.dma_semaphore, #tpu.memory_space<semaphore_mem>>) src(%dma_wait3A_50 : memref<128xi32, #tpu.memory_space<hbm>>) dst(%arg9 : memref<128xi32, #tpu.memory_space<vmem>>)
        tpu.yield
      }) : () -> ()
      "tpu.region"() ({
        %run_scoped3A = tpu.sem_alloc : memref<!tpu.dma_semaphore, #tpu.memory_space<semaphore_mem>>
        %dma_start3A_47 = arith.constant 0 : i32
        %dma_start3A_48 = arith.constant 0 : i32
        %dma_start3A_49 = tpu.memref_slice %arg13[%dma_start3A_47, %dma_start3A_48] : memref<10240x128xf32, #tpu.memory_space<vmem_shared>> -> memref<10240x128xf32, #tpu.memory_space<vmem_shared>>
        tpu.enqueue_indirect_dma source(%arg11 : memref<128x128xf32, #tpu.memory_space<vmem>>) target(%dma_start3A_49 : memref<10240x128xf32, #tpu.memory_space<vmem_shared>>) offsets(%arg9 : memref<128xi32, #tpu.memory_space<vmem>>) semaphore(%run_scoped3A : memref<!tpu.dma_semaphore, #tpu.memory_space<semaphore_mem>>) {add = true}
        %dma_wait3A_50 = arith.constant 0 : i32
        %dma_wait3A_51 = arith.constant 0 : i32
        %dma_wait3A_52 = tpu.memref_slice %arg13[%dma_wait3A_50, %dma_wait3A_51] : memref<10240x128xf32, #tpu.memory_space<vmem_shared>> -> memref<10240x128xf32, #tpu.memory_space<vmem_shared>>
        tpu.wait_indirect_dma semaphore(%run_scoped3A : memref<!tpu.dma_semaphore, #tpu.memory_space<semaphore_mem>>) src(%arg11 : memref<128x128xf32, #tpu.memory_space<vmem>>) dst(%dma_wait3A_52 : memref<10240x128xf32, #tpu.memory_space<vmem_shared>>)
        tpu.yield
      }) : () -> ()
      %dma_wait3A = arith.constant 0 : i32
      %dma_wait3A_28 = arith.constant 0 : i32
      %dma_wait3A_29 = tpu.memref_slice %arg2[%dma_wait3A, %dma_wait3A_28] : memref<10000x128xf32, #tpu.memory_space<hbm>> -> memref<10000x128xf32, #tpu.memory_space<hbm>>
      tpu.wait_indirect_dma semaphore(%arg14 : memref<!tpu.dma_semaphore, #tpu.memory_space<semaphore_mem>>) src(%dma_wait3A_29 : memref<10000x128xf32, #tpu.memory_space<hbm>>) dst(%arg12 : memref<128x128xf32, #tpu.memory_space<vmem>>)
      %add3A_30 = arith.constant 2 : i32
      %add3A_31 = arith.addi %mul3A_17, %add3A_30 : i32
      %min3A = arith.constant 79 : i32
      %min3A_32 = arith.minsi %add3A_31, %min3A : i32
      %mul3A_33 = arith.constant 128 : i32
      %mul3A_34 = arith.muli %min3A_32, %mul3A_33 : i32
      %add3A_35 = arith.addi %mul3A_4, %mul3A_34 : i32
      "tpu.region"() ({
        %run_scoped3A = tpu.sem_alloc : memref<!tpu.dma_semaphore, #tpu.memory_space<semaphore_mem>>
        %dma_start3A_47 = tpu.memref_slice %arg3[%add3A_35] : memref<327680xi32, #tpu.memory_space<hbm>> -> memref<128xi32, #tpu.memory_space<hbm>>
        %dma_start3A_48 = tpu.memref_slice %arg3[%add3A_35] : memref<327680xi32, #tpu.memory_space<hbm>> -> memref<128xi32, #tpu.memory_space<hbm>>
        tpu.enqueue_dma source(%dma_start3A_48 : memref<128xi32, #tpu.memory_space<hbm>>) target(%arg7 : memref<128xi32, #tpu.memory_space<vmem>>) target_semaphore(%run_scoped3A : memref<!tpu.dma_semaphore, #tpu.memory_space<semaphore_mem>>)
        %dma_wait3A_49 = tpu.memref_slice %arg3[%add3A_35] : memref<327680xi32, #tpu.memory_space<hbm>> -> memref<128xi32, #tpu.memory_space<hbm>>
        %dma_wait3A_50 = tpu.memref_slice %arg3[%add3A_35] : memref<327680xi32, #tpu.memory_space<hbm>> -> memref<128xi32, #tpu.memory_space<hbm>>
        tpu.wait_dma2 semaphore(%run_scoped3A : memref<!tpu.dma_semaphore, #tpu.memory_space<semaphore_mem>>) src(%dma_wait3A_50 : memref<128xi32, #tpu.memory_space<hbm>>) dst(%arg7 : memref<128xi32, #tpu.memory_space<vmem>>)
        tpu.yield
      }) : () -> ()
      %dma_start3A_36 = arith.constant 0 : i32
      %dma_start3A_37 = arith.constant 0 : i32
      %dma_start3A_38 = tpu.memref_slice %arg2[%dma_start3A_36, %dma_start3A_37] : memref<10000x128xf32, #tpu.memory_space<hbm>> -> memref<10000x128xf32, #tpu.memory_space<hbm>>
      tpu.enqueue_indirect_dma source(%dma_start3A_38 : memref<10000x128xf32, #tpu.memory_space<hbm>>) target(%arg11 : memref<128x128xf32, #tpu.memory_space<vmem>>) offsets(%arg7 : memref<128xi32, #tpu.memory_space<vmem>>) semaphore(%arg14 : memref<!tpu.dma_semaphore, #tpu.memory_space<semaphore_mem>>)
      %add3A_39 = arith.constant 1 : i32
      %add3A_40 = arith.addi %mul3A_17, %add3A_39 : i32
      %mul3A_41 = arith.constant 128 : i32
      %mul3A_42 = arith.muli %add3A_40, %mul3A_41 : i32
      %add3A_43 = arith.addi %mul3A_4, %mul3A_42 : i32
      "tpu.region"() ({
        %run_scoped3A = tpu.sem_alloc : memref<!tpu.dma_semaphore, #tpu.memory_space<semaphore_mem>>
        %dma_start3A_47 = tpu.memref_slice %arg4[%add3A_43] : memref<327680xi32, #tpu.memory_space<hbm>> -> memref<128xi32, #tpu.memory_space<hbm>>
        %dma_start3A_48 = tpu.memref_slice %arg4[%add3A_43] : memref<327680xi32, #tpu.memory_space<hbm>> -> memref<128xi32, #tpu.memory_space<hbm>>
        tpu.enqueue_dma source(%dma_start3A_48 : memref<128xi32, #tpu.memory_space<hbm>>) target(%arg10 : memref<128xi32, #tpu.memory_space<vmem>>) target_semaphore(%run_scoped3A : memref<!tpu.dma_semaphore, #tpu.memory_space<semaphore_mem>>)
        %dma_wait3A_49 = tpu.memref_slice %arg4[%add3A_43] : memref<327680xi32, #tpu.memory_space<hbm>> -> memref<128xi32, #tpu.memory_space<hbm>>
        %dma_wait3A_50 = tpu.memref_slice %arg4[%add3A_43] : memref<327680xi32, #tpu.memory_space<hbm>> -> memref<128xi32, #tpu.memory_space<hbm>>
        tpu.wait_dma2 semaphore(%run_scoped3A : memref<!tpu.dma_semaphore, #tpu.memory_space<semaphore_mem>>) src(%dma_wait3A_50 : memref<128xi32, #tpu.memory_space<hbm>>) dst(%arg10 : memref<128xi32, #tpu.memory_space<vmem>>)
        tpu.yield
      }) : () -> ()
      "tpu.region"() ({
        %run_scoped3A = tpu.sem_alloc : memref<!tpu.dma_semaphore, #tpu.memory_space<semaphore_mem>>
        %dma_start3A_47 = arith.constant 0 : i32
        %dma_start3A_48 = arith.constant 0 : i32
        %dma_start3A_49 = tpu.memref_slice %arg13[%dma_start3A_47, %dma_start3A_48] : memref<10240x128xf32, #tpu.memory_space<vmem_shared>> -> memref<10240x128xf32, #tpu.memory_space<vmem_shared>>
        tpu.enqueue_indirect_dma source(%arg12 : memref<128x128xf32, #tpu.memory_space<vmem>>) target(%dma_start3A_49 : memref<10240x128xf32, #tpu.memory_space<vmem_shared>>) offsets(%arg10 : memref<128xi32, #tpu.memory_space<vmem>>) semaphore(%run_scoped3A : memref<!tpu.dma_semaphore, #tpu.memory_space<semaphore_mem>>) {add = true}
        %dma_wait3A_50 = arith.constant 0 : i32
        %dma_wait3A_51 = arith.constant 0 : i32
        %dma_wait3A_52 = tpu.memref_slice %arg13[%dma_wait3A_50, %dma_wait3A_51] : memref<10240x128xf32, #tpu.memory_space<vmem_shared>> -> memref<10240x128xf32, #tpu.memory_space<vmem_shared>>
        tpu.wait_indirect_dma semaphore(%run_scoped3A : memref<!tpu.dma_semaphore, #tpu.memory_space<semaphore_mem>>) src(%arg12 : memref<128x128xf32, #tpu.memory_space<vmem>>) dst(%dma_wait3A_52 : memref<10240x128xf32, #tpu.memory_space<vmem_shared>>)
        tpu.yield
      }) : () -> ()
      %dma_wait3A_44 = arith.constant 0 : i32
      %dma_wait3A_45 = arith.constant 0 : i32
      %dma_wait3A_46 = tpu.memref_slice %arg2[%dma_wait3A_44, %dma_wait3A_45] : memref<10000x128xf32, #tpu.memory_space<hbm>> -> memref<10000x128xf32, #tpu.memory_space<hbm>>
      tpu.wait_indirect_dma semaphore(%arg14 : memref<!tpu.dma_semaphore, #tpu.memory_space<semaphore_mem>>) src(%dma_wait3A_46 : memref<10000x128xf32, #tpu.memory_space<hbm>>) dst(%arg11 : memref<128x128xf32, #tpu.memory_space<vmem>>)
    }
    %scan3A_9 = arith.constant 40 : i32
    %barrier3A_10 = arith.constant 0 : index
    tpu.barrier barrier_id(%barrier3A_10)
    %mul3A_11 = arith.constant 640 : i32
    %mul3A_12 = arith.muli %arg1, %mul3A_11 : i32
    %mul3A_13 = arith.constant 640 : i32
    %mul3A_14 = arith.muli %arg1, %mul3A_13 : i32
    "tpu.region"() ({
      %run_scoped3A = tpu.sem_alloc : memref<!tpu.dma_semaphore, #tpu.memory_space<semaphore_mem>>
      %dma_start3A = arith.constant 0 : i32
      %dma_start3A_15 = tpu.memref_slice %arg6[%arg0, %mul3A_14, %dma_start3A] : memref<2x10240x128xf32, #tpu.memory_space<hbm>> -> memref<1x640x128xf32, #tpu.memory_space<hbm>>
      %dma_start3A_16 = tpu.memref_squeeze %dma_start3A_15 : memref<1x640x128xf32, #tpu.memory_space<hbm>> -> memref<640x128xf32, #tpu.memory_space<hbm>>
      %dma_start3A_17 = arith.constant 0 : i32
      %dma_start3A_18 = tpu.memref_slice %arg13[%mul3A_12, %dma_start3A_17] : memref<10240x128xf32, #tpu.memory_space<vmem_shared>> -> memref<640x128xf32, #tpu.memory_space<vmem_shared>>
      tpu.enqueue_dma source(%dma_start3A_18 : memref<640x128xf32, #tpu.memory_space<vmem_shared>>) target(%dma_start3A_16 : memref<640x128xf32, #tpu.memory_space<hbm>>) target_semaphore(%run_scoped3A : memref<!tpu.dma_semaphore, #tpu.memory_space<semaphore_mem>>)
      %dma_wait3A = arith.constant 0 : i32
      %dma_wait3A_19 = tpu.memref_slice %arg6[%arg0, %mul3A_14, %dma_wait3A] : memref<2x10240x128xf32, #tpu.memory_space<hbm>> -> memref<1x640x128xf32, #tpu.memory_space<hbm>>
      %dma_wait3A_20 = tpu.memref_squeeze %dma_wait3A_19 : memref<1x640x128xf32, #tpu.memory_space<hbm>> -> memref<640x128xf32, #tpu.memory_space<hbm>>
      %dma_wait3A_21 = arith.constant 0 : i32
      %dma_wait3A_22 = tpu.memref_slice %arg13[%mul3A_12, %dma_wait3A_21] : memref<10240x128xf32, #tpu.memory_space<vmem_shared>> -> memref<640x128xf32, #tpu.memory_space<vmem_shared>>
      tpu.wait_dma2 semaphore(%run_scoped3A : memref<!tpu.dma_semaphore, #tpu.memory_space<semaphore_mem>>) src(%dma_wait3A_22 : memref<640x128xf32, #tpu.memory_space<vmem_shared>>) dst(%dma_wait3A_20 : memref<640x128xf32, #tpu.memory_space<hbm>>)
      tpu.yield
    }) : () -> ()
    return
  }
}

module attributes {stable_mosaic.version = 14 : i64} {
  func.func @_tc_inv_body(%arg0: memref<2x10240x128xf32, #tpu.memory_space<vmem>>, %arg1: memref<10000x1xf32, #tpu.memory_space<vmem>>) attributes {dimension_semantics = [], scalar_prefetch = 0 : i64, scratch_operands = 0 : i64, tpu.core_type = #tpu.core_type<tc>} {
    %get3A = arith.constant 0 : index
    %get3A_0 = arith.constant 0 : index
    %get3A_1 = arith.constant 0 : index
    %get3A_2 = vector.load %arg0[%get3A, %get3A_0, %get3A_1] : memref<2x10240x128xf32, #tpu.memory_space<vmem>>, vector<1x10240x1xf32>
    %get3A_3 = vector.shape_cast %get3A_2 : vector<1x10240x1xf32> to vector<10240x1xf32>
    %get3A_4 = arith.constant 1 : index
    %get3A_5 = arith.constant 0 : index
    %get3A_6 = arith.constant 0 : index
    %get3A_7 = vector.load %arg0[%get3A_4, %get3A_5, %get3A_6] : memref<2x10240x128xf32, #tpu.memory_space<vmem>>, vector<1x10240x1xf32>
    %get3A_8 = vector.shape_cast %get3A_7 : vector<1x10240x1xf32> to vector<10240x1xf32>
    %add3A = arith.addf %get3A_3, %get3A_8 : vector<10240x1xf32>
    %gt3A = arith.constant 0.000000e+00 : f32
    %gt3A_9 = vector.broadcast %gt3A : f32 to vector<10240x1xf32>
    %gt3A_10 = arith.cmpf ogt, %add3A, %gt3A_9 : vector<10240x1xf32>
    %max3A = arith.constant 1.000000e+00 : f32
    %max3A_11 = vector.broadcast %max3A : f32 to vector<10240x1xf32>
    %max3A_12 = arith.maximumf %add3A, %max3A_11 : vector<10240x1xf32>
    %div3A = arith.constant 1.000000e+00 : f32
    %div3A_13 = vector.broadcast %div3A : f32 to vector<10240x1xf32>
    %div3A_14 = arith.divf %div3A_13, %max3A_12 : vector<10240x1xf32>
    %jit3A = arith.constant 0.000000e+00 : f32
    %broadcast_in_dim3A = vector.broadcast %jit3A : f32 to vector<10240x1xf32>
    %select_n3A = arith.select %gt3A_10, %div3A_14, %broadcast_in_dim3A : vector<10240x1xi1>, vector<10240x1xf32>
    %slice3A = vector.extract_strided_slice %select_n3A {offsets = [0, 0], sizes = [10000, 1], strides = [1, 1]} : vector<10240x1xf32> to vector<10000x1xf32>
    %swap3A = arith.constant 0 : index
    %swap3A_15 = arith.constant 0 : index
    %swap3A_16 = vector.load %arg1[%swap3A, %swap3A_15] : memref<10000x1xf32, #tpu.memory_space<vmem>>, vector<10000x1xf32>
    tpu.vector_store %arg1[%swap3A, %swap3A_15], %slice3A {strides = array<i32>} : memref<10000x1xf32, #tpu.memory_space<vmem>>, vector<10000x1xf32>,
    return
  }
}

module attributes {stable_mosaic.version = 14 : i64} {
  func.func @_tc_dense_body(%arg0: i32, %arg1: memref<1000x128xf32, #tpu.memory_space<vmem>>, %arg2: memref<2x1000x128xf32, #tpu.memory_space<vmem>>, %arg3: memref<1000x1xf32, #tpu.memory_space<vmem>>, %arg4: memref<256x128xf32, #tpu.memory_space<vmem>>, %arg5: memref<1000x128xf32, #tpu.memory_space<vmem>>) attributes {dimension_semantics = [#tpu.dimension_semantics<arbitrary>], iteration_bounds = array<i64: 10>, scalar_prefetch = 0 : i64, scratch_operands = 0 : i64, tpu.core_type = #tpu.core_type<tc>, window_params = [{transform_indices = @transform_0, window_bounds = array<i64: 1000, 128>}, {transform_indices = @transform_1, window_bounds = array<i64: 2, 1000, 128>}, {transform_indices = @transform_2, window_bounds = array<i64: 1000, 1>}, {pipeline_mode = #tpu.pipeline_mode<synchronous>, transform_indices = @transform_3, window_bounds = array<i64: 256, 128>}, {transform_indices = @transform_4, window_bounds = array<i64: 1000, 128>}]} {
    %get3A = arith.constant 0 : index
    %get3A_0 = arith.constant 0 : index
    %get3A_1 = arith.constant 0 : index
    %get3A_2 = vector.load %arg2[%get3A, %get3A_0, %get3A_1] : memref<2x1000x128xf32, #tpu.memory_space<vmem>>, vector<1x1000x128xf32>
    %get3A_3 = vector.shape_cast %get3A_2 : vector<1x1000x128xf32> to vector<1000x128xf32>
    %get3A_4 = arith.constant 1 : index
    %get3A_5 = arith.constant 0 : index
    %get3A_6 = arith.constant 0 : index
    %get3A_7 = vector.load %arg2[%get3A_4, %get3A_5, %get3A_6] : memref<2x1000x128xf32, #tpu.memory_space<vmem>>, vector<1x1000x128xf32>
    %get3A_8 = vector.shape_cast %get3A_7 : vector<1x1000x128xf32> to vector<1000x128xf32>
    %add3A = arith.addf %get3A_3, %get3A_8 : vector<1000x128xf32>
    %get3A_9 = arith.constant 0 : index
    %get3A_10 = arith.constant 0 : index
    %get3A_11 = vector.load %arg3[%get3A_9, %get3A_10] : memref<1000x1xf32, #tpu.memory_space<vmem>>, vector<1000x1xf32>
    %mul3A = vector.broadcast %get3A_11 : vector<1000x1xf32> to vector<1000x128xf32>
    %mul3A_12 = arith.mulf %add3A, %mul3A : vector<1000x128xf32>
    %get3A_13 = arith.constant 0 : index
    %get3A_14 = arith.constant 0 : index
    %get3A_15 = vector.load %arg1[%get3A_13, %get3A_14] : memref<1000x128xf32, #tpu.memory_space<vmem>>, vector<1000x128xf32>
    %get3A_16 = arith.constant 0 : index
    %get3A_17 = arith.constant 0 : index
    %get3A_18 = vector.load %arg4[%get3A_16, %get3A_17] : memref<256x128xf32, #tpu.memory_space<vmem>>, vector<128x128xf32>
    %dot_general3A = arith.constant dense<0.000000e+00> : vector<1000x128xf32>
    %dot_general3A_19 = tpu.matmul %get3A_15, %get3A_18, %dot_general3A {dimension_numbers = #tpu.dot_dimension_numbers<[1], [0], [0], [1], [0, 0, 1, 1], [], []>, transpose_lhs_hint = false} : vector<1000x128xf32>, vector<128x128xf32>, vector<1000x128xf32> -> vector<1000x128xf32>
    %get3A_20 = arith.constant 128 : index
    %get3A_21 = arith.constant 0 : index
    %get3A_22 = vector.load %arg4[%get3A_20, %get3A_21] : memref<256x128xf32, #tpu.memory_space<vmem>>, vector<128x128xf32>
    %dot_general3A_23 = arith.constant dense<0.000000e+00> : vector<1000x128xf32>
    %dot_general3A_24 = tpu.matmul %mul3A_12, %get3A_22, %dot_general3A_23 {dimension_numbers = #tpu.dot_dimension_numbers<[1], [0], [0], [1], [0, 0, 1, 1], [], []>, transpose_lhs_hint = false} : vector<1000x128xf32>, vector<128x128xf32>, vector<1000x128xf32> -> vector<1000x128xf32>
    %add3A_25 = arith.addf %dot_general3A_19, %dot_general3A_24 : vector<1000x128xf32>
    %max3A = arith.constant 0.000000e+00 : f32
    %max3A_26 = vector.broadcast %max3A : f32 to vector<1000x128xf32>
    %max3A_27 = arith.maximumf %add3A_25, %max3A_26 : vector<1000x128xf32>
    %mul3A_28 = arith.mulf %max3A_27, %max3A_27 : vector<1000x128xf32>
    %reduce_sum3A = arith.constant dense<0.000000e+00> : vector<1000xf32>
    %reduce_sum3A_29 = vector.multi_reduction <add>, %mul3A_28, %reduce_sum3A [1] : vector<1000x128xf32> to vector<1000xf32>
    %broadcast_in_dim3A = vector.shape_cast %reduce_sum3A_29 : vector<1000xf32> to vector<1000x1xf32>
    %sqrt3A = math.sqrt %broadcast_in_dim3A : vector<1000x1xf32>
    %max3A_30 = arith.constant 9.99999996E-13 : f32
    %max3A_31 = vector.broadcast %max3A_30 : f32 to vector<1000x1xf32>
    %max3A_32 = arith.maximumf %sqrt3A, %max3A_31 : vector<1000x1xf32>
    %div3A = vector.broadcast %max3A_32 : vector<1000x1xf32> to vector<1000x128xf32>
    %div3A_33 = arith.divf %max3A_27, %div3A : vector<1000x128xf32>
    %swap3A = arith.constant 0 : index
    %swap3A_34 = arith.constant 0 : index
    %swap3A_35 = vector.load %arg5[%swap3A, %swap3A_34] : memref<1000x128xf32, #tpu.memory_space<vmem>>, vector<1000x128xf32>
    tpu.vector_store %arg5[%swap3A, %swap3A_34], %div3A_33 {strides = array<i32>} : memref<1000x128xf32, #tpu.memory_space<vmem>>, vector<1000x128xf32>,
    return
  }
  func.func @transform_0(%arg0: i32) -> (i32, i32) {
    %c0_i32 = arith.constant 0 : i32
    %c0_i32_0 = arith.constant 0 : i32
    return %arg0, %c0_i32 : i32, i32
  }
  func.func @transform_1(%arg0: i32) -> (i32, i32, i32) {
    %c0_i32 = arith.constant 0 : i32
    %c0_i32_0 = arith.constant 0 : i32
    %c0_i32_1 = arith.constant 0 : i32
    return %c0_i32, %arg0, %c0_i32_0 : i32, i32, i32
  }
  func.func @transform_2(%arg0: i32) -> (i32, i32) {
    %c0_i32 = arith.constant 0 : i32
    %c0_i32_0 = arith.constant 0 : i32
    return %arg0, %c0_i32 : i32, i32
  }
  func.func @transform_3(%arg0: i32) -> (i32, i32) {
    %c0_i32 = arith.constant 0 : i32
    %c0_i32_0 = arith.constant 0 : i32
    %c0_i32_1 = arith.constant 0 : i32
    return %c0_i32, %c0_i32_0 : i32, i32
  }
  func.func @transform_4(%arg0: i32) -> (i32, i32) {
    %c0_i32 = arith.constant 0 : i32
    %c0_i32_0 = arith.constant 0 : i32
    return %arg0, %c0_i32 : i32, i32
  }
}

module attributes {stable_mosaic.version = 14 : i64} {
  func.func @_tc_dense_body(%arg0: i32, %arg1: memref<1000x128xf32, #tpu.memory_space<vmem>>, %arg2: memref<2x1000x128xf32, #tpu.memory_space<vmem>>, %arg3: memref<1000x1xf32, #tpu.memory_space<vmem>>, %arg4: memref<256x128xf32, #tpu.memory_space<vmem>>, %arg5: memref<1000x128xf32, #tpu.memory_space<vmem>>) attributes {dimension_semantics = [#tpu.dimension_semantics<arbitrary>], iteration_bounds = array<i64: 10>, scalar_prefetch = 0 : i64, scratch_operands = 0 : i64, tpu.core_type = #tpu.core_type<tc>, window_params = [{transform_indices = @transform_0, window_bounds = array<i64: 1000, 128>}, {transform_indices = @transform_1, window_bounds = array<i64: 2, 1000, 128>}, {transform_indices = @transform_2, window_bounds = array<i64: 1000, 1>}, {pipeline_mode = #tpu.pipeline_mode<synchronous>, transform_indices = @transform_3, window_bounds = array<i64: 256, 128>}, {transform_indices = @transform_4, window_bounds = array<i64: 1000, 128>}]} {
    %get3A = arith.constant 0 : index
    %get3A_0 = arith.constant 0 : index
    %get3A_1 = arith.constant 0 : index
    %get3A_2 = vector.load %arg2[%get3A, %get3A_0, %get3A_1] : memref<2x1000x128xf32, #tpu.memory_space<vmem>>, vector<1x1000x128xf32>
    %get3A_3 = vector.shape_cast %get3A_2 : vector<1x1000x128xf32> to vector<1000x128xf32>
    %get3A_4 = arith.constant 1 : index
    %get3A_5 = arith.constant 0 : index
    %get3A_6 = arith.constant 0 : index
    %get3A_7 = vector.load %arg2[%get3A_4, %get3A_5, %get3A_6] : memref<2x1000x128xf32, #tpu.memory_space<vmem>>, vector<1x1000x128xf32>
    %get3A_8 = vector.shape_cast %get3A_7 : vector<1x1000x128xf32> to vector<1000x128xf32>
    %add3A = arith.addf %get3A_3, %get3A_8 : vector<1000x128xf32>
    %get3A_9 = arith.constant 0 : index
    %get3A_10 = arith.constant 0 : index
    %get3A_11 = vector.load %arg3[%get3A_9, %get3A_10] : memref<1000x1xf32, #tpu.memory_space<vmem>>, vector<1000x1xf32>
    %mul3A = vector.broadcast %get3A_11 : vector<1000x1xf32> to vector<1000x128xf32>
    %mul3A_12 = arith.mulf %add3A, %mul3A : vector<1000x128xf32>
    %get3A_13 = arith.constant 0 : index
    %get3A_14 = arith.constant 0 : index
    %get3A_15 = vector.load %arg1[%get3A_13, %get3A_14] : memref<1000x128xf32, #tpu.memory_space<vmem>>, vector<1000x128xf32>
    %get3A_16 = arith.constant 0 : index
    %get3A_17 = arith.constant 0 : index
    %get3A_18 = vector.load %arg4[%get3A_16, %get3A_17] : memref<256x128xf32, #tpu.memory_space<vmem>>, vector<128x128xf32>
    %dot_general3A = arith.constant dense<0.000000e+00> : vector<1000x128xf32>
    %dot_general3A_19 = tpu.matmul %get3A_15, %get3A_18, %dot_general3A {dimension_numbers = #tpu.dot_dimension_numbers<[1], [0], [0], [1], [0, 0, 1, 1], [], []>, transpose_lhs_hint = false} : vector<1000x128xf32>, vector<128x128xf32>, vector<1000x128xf32> -> vector<1000x128xf32>
    %get3A_20 = arith.constant 128 : index
    %get3A_21 = arith.constant 0 : index
    %get3A_22 = vector.load %arg4[%get3A_20, %get3A_21] : memref<256x128xf32, #tpu.memory_space<vmem>>, vector<128x128xf32>
    %dot_general3A_23 = arith.constant dense<0.000000e+00> : vector<1000x128xf32>
    %dot_general3A_24 = tpu.matmul %mul3A_12, %get3A_22, %dot_general3A_23 {dimension_numbers = #tpu.dot_dimension_numbers<[1], [0], [0], [1], [0, 0, 1, 1], [], []>, transpose_lhs_hint = false} : vector<1000x128xf32>, vector<128x128xf32>, vector<1000x128xf32> -> vector<1000x128xf32>
    %add3A_25 = arith.addf %dot_general3A_19, %dot_general3A_24 : vector<1000x128xf32>
    %max3A = arith.constant 0.000000e+00 : f32
    %max3A_26 = vector.broadcast %max3A : f32 to vector<1000x128xf32>
    %max3A_27 = arith.maximumf %add3A_25, %max3A_26 : vector<1000x128xf32>
    %mul3A_28 = arith.mulf %max3A_27, %max3A_27 : vector<1000x128xf32>
    %reduce_sum3A = arith.constant dense<0.000000e+00> : vector<1000xf32>
    %reduce_sum3A_29 = vector.multi_reduction <add>, %mul3A_28, %reduce_sum3A [1] : vector<1000x128xf32> to vector<1000xf32>
    %broadcast_in_dim3A = vector.shape_cast %reduce_sum3A_29 : vector<1000xf32> to vector<1000x1xf32>
    %sqrt3A = math.sqrt %broadcast_in_dim3A : vector<1000x1xf32>
    %max3A_30 = arith.constant 9.99999996E-13 : f32
    %max3A_31 = vector.broadcast %max3A_30 : f32 to vector<1000x1xf32>
    %max3A_32 = arith.maximumf %sqrt3A, %max3A_31 : vector<1000x1xf32>
    %div3A = vector.broadcast %max3A_32 : vector<1000x1xf32> to vector<1000x128xf32>
    %div3A_33 = arith.divf %max3A_27, %div3A : vector<1000x128xf32>
    %swap3A = arith.constant 0 : index
    %swap3A_34 = arith.constant 0 : index
    %swap3A_35 = vector.load %arg5[%swap3A, %swap3A_34] : memref<1000x128xf32, #tpu.memory_space<vmem>>, vector<1000x128xf32>
    tpu.vector_store %arg5[%swap3A, %swap3A_34], %div3A_33 {strides = array<i32>} : memref<1000x128xf32, #tpu.memory_space<vmem>>, vector<1000x128xf32>,
    return
  }
  func.func @transform_0(%arg0: i32) -> (i32, i32) {
    %c0_i32 = arith.constant 0 : i32
    %c0_i32_0 = arith.constant 0 : i32
    return %arg0, %c0_i32 : i32, i32
  }
  func.func @transform_1(%arg0: i32) -> (i32, i32, i32) {
    %c0_i32 = arith.constant 0 : i32
    %c0_i32_0 = arith.constant 0 : i32
    %c0_i32_1 = arith.constant 0 : i32
    return %c0_i32, %arg0, %c0_i32_0 : i32, i32, i32
  }
  func.func @transform_2(%arg0: i32) -> (i32, i32) {
    %c0_i32 = arith.constant 0 : i32
    %c0_i32_0 = arith.constant 0 : i32
    return %arg0, %c0_i32 : i32, i32
  }
  func.func @transform_3(%arg0: i32) -> (i32, i32) {
    %c0_i32 = arith.constant 0 : i32
    %c0_i32_0 = arith.constant 0 : i32
    %c0_i32_1 = arith.constant 0 : i32
    return %c0_i32, %c0_i32_0 : i32, i32
  }
  func.func @transform_4(%arg0: i32) -> (i32, i32) {
    %c0_i32 = arith.constant 0 : i32
    %c0_i32_0 = arith.constant 0 : i32
    return %arg0, %c0_i32 : i32, i32
  }
}

</mosaic_0001>

<sc_bundles>
// kernel: kernel.11.cloned.1.call-start
scs
__scs_entry_jumppad:
0x0: {  	(pc) =	sbr.rel $0x88, $3  }
0x1: {  	(tag) =	ssettag $0x0;
	lr =	simm.s32 $0x1  }
0x2: {  	[smem:$0x3F9D] =	sst lr;
	_ =	strace $0xD0000000  }
0x3: {  	_ = 	snop  }
0x4: {  	_ = 	snop  }
0x5: {  	_ = 	snop  }
0x6: {  	_ = 	snop  }
0x7: {  	_ = 	snop  }
__scs_overlays_trampoline_lowered:
0x8: {  	[smem:$0x3FAC] =	sst s0  }
0x9: {  	[smem:$0x3FAD] =	sst s1  }
0xa: {  	[smem:$0x3FAE] =	sst s2  }
0xb: {  	[smem:$0x3FAF] =	sst s3  }
0xc: {  	[smem:$0x3FB0] =	sst s4  }
0xd: {  	[smem:$0x3FB1] =	sst s5  }
0xe: {  	[smem:$0x3FB2] =	sst s6  }
0xf: {  	[smem:$0x3FB3] =	sst s7  }
0x10: {  	[smem:$0x3FB4] =	sst s8  }
0x11: {  	[smem:$0x3FB5] =	sst s9;
	s0 =	simm.s32 @!p0 $0x0  }
0x12: {  	s1 =	sld [smem:$0x3F9B];
	s0 =	simm.s32 @p0 $0x1  }
0x13: {  	[smem:$0x3FB6] =	sst s0;
	s0 =	simm.s32 @!p1 $0x0  }
0x14: {  	s2 =	sld [smem:$0x3F9A];
	s0 =	simm.s32 @p1 $0x1  }
0x15: {  	[smem:$0x3FB7] =	sst s0;
	s0 =	simm.s32 @!p2 $0x0  }
0x16: {  	s3 =	sld [smem:$0x3FDB];
	s0 =	simm.s32 @p2 $0x1  }
0x17: {  	s4 =	simm.s32 $0x1BF5;
	[smem:$0x3FB9] =	sst s0  }
0x18: {  	s0 =	sld [smem:$0x3F9C];
	_ =	swait.ge [sflag:s4], $0x0  }
0x19: {  	s7 =	sld [smem:$0x3F9D]  }
0x1a: {  	s8 =	sadd.s32 $0xFFFFE003, lr  }
0x1b: {  	s9 =	sadd.s32 $0xFFFFFEF7, lr;
	s5 =	simm.s32 $0xFFFFFFFF;
	p2 =	slt.u32 s8, $0xFFFFF086  }
0x1c: {  	p1 =	slt.u32 s9, $0xF7A;
	s5 =	simm.s32 @!p2 $0x0  }
0x1d: {  	s5 =	simm.s32 @p1 $0x1;
	p0 =	seq.s32 s7, s2  }
0x1e: {  	s7 =	smul.u32 @!p0 $0xF7A, s2;
	p2 =	seq.s32 @!p0 s5, $0x0  }
0x1f: {  	s9 =	smul.u32 $0xF7A, s1;
	s8 =	simm.s32 @!p0 $0x1BF5;
	p2 =	por !p2, p0  }
0x20: {  	[sflag:s8] =	ssyncset.s32 @!p0 $0xFFFFF086;
	s6 =	sadd.s32 @!p0 s3, s7;
	s7 =	simm.s32 @!p0 $0x108  }
0x21: {  	s3 =	sadd.s32 s3, s9;
	s6 =	sadd.s32 @!p0 $0x88, s6;
	s7 =	simm.s32 @p2 $0x1082  }
0x22: {  	[simem:s7], [sflag:s8] =	dma.local @!p0 [hbm:s6], $0xF7A  }
0x23: {  	s9 =	sor.u32 $0xD0000000, s2;
	s6 =	simm.s32 $0x108;
	_ =	swait.ge @!p0 [sflag:s8], $0x0  }
0x24: {  	s3 =	sadd.s32 $0x88, s3;
	s6 =	simm.s32 @!p1 $0x1082;
	[sflag:s4] =	ssyncset.s32 $0xFFFFF086  }
0x25: {  	[simem:s6], [sflag:s4] =	dma.local [hbm:s3], $0xF7A  }
0x26: {  	[smem:$0x3F9D] =	sst s1;
	(tag) =	ssettag s2;
	_ =	strace s9  }
0x27: {  	s1 =	sld [smem:$0x3FAD]  }
0x28: {  	s2 =	sld [smem:$0x3FAE]  }
0x29: {  	s4 =	sld [smem:$0x3FB0]  }
0x2a: {  	p0 =	seq.s32 s5, $0x0;
	s5 =	sld [smem:$0x3FB1]  }
0x2b: {  	s6 =	sld [smem:$0x3FB2]  }
0x2c: {  	s7 =	sld [smem:$0x3FB3]  }
0x2d: {  	s3 =	simm.s32 $0x108;
	s8 =	sld [smem:$0x3FB4]  }
0x2e: {  	s3 =	simm.s32 @!p0 $0x1082;
	s9 =	sld [smem:$0x3FB5]  }
0x2f: {  	lr =	sadd.s32 s0, s3;
	s0 =	sld [smem:$0x3FAC]  }
0x30: {  	s3 =	sld [smem:$0x3FAF]  }
0x31: {  	[smem:$0x3FB8] =	sst s10  }
0x32: {  	s10 =	sld [smem:$0x3FB6];
	_ =	sdelay $0x3  }
0x33: {  	p0 =	seq.s32 s10, $0x1;
	s10 =	sld [smem:$0x3FB8];
	_ =	sdelay $0x3  }
0x34: {  	[smem:$0x3FB8] =	sst s10  }
0x35: {  	s10 =	sld [smem:$0x3FB7];
	_ =	sdelay $0x3  }
0x36: {  	p1 =	seq.s32 s10, $0x1;
	s10 =	sld [smem:$0x3FB8];
	_ =	sdelay $0x3  }
0x37: {  	[smem:$0x3FB8] =	sst s10  }
0x38: {  	s10 =	sld [smem:$0x3FB9]  }
0x39: {  	_ = 	snop;
	(pc) =	sbr.ind lr, $3  }
0x3a: {  	_ = 	snop  }
0x3b: {  	_ = 	snop  }
0x3c: {  	p2 =	seq.s32 s10, $0x1;
	s10 =	sld [smem:$0x3FB8]  }
0x3d: {  	_ =	shalt  }
0x3e: {  	_ =	shalt  }
0x3f: {  	_ =	shalt  }
0x40: {  	_ =	shalt  }
0x41: {  	_ =	shalt  }
0x42: {  	_ =	shalt  }
0x43: {  	_ =	shalt  }
0x44: {  	_ =	shalt  }
0x45: {  	_ =	shalt  }
0x46: {  	_ =	shalt  }
0x47: {  	_ =	shalt  }
0x48: {  	_ =	shalt  }
0x49: {  	_ =	shalt  }
0x4a: {  	_ =	shalt  }
0x4b: {  	_ =	shalt  }
0x4c: {  	_ =	shalt  }
0x4d: {  	_ =	shalt  }
0x4e: {  	_ =	shalt  }
0x4f: {  	_ =	shalt  }
0x50: {  	_ =	shalt  }
0x51: {  	_ =	shalt  }
0x52: {  	_ =	shalt  }
0x53: {  	_ =	shalt  }
0x54: {  	_ =	shalt  }
0x55: {  	_ =	shalt  }
0x56: {  	_ =	shalt  }
0x57: {  	_ =	shalt  }
0x58: {  	_ =	shalt  }
0x59: {  	_ =	shalt  }
0x5a: {  	_ =	shalt  }
0x5b: {  	_ =	shalt  }
0x5c: {  	_ =	shalt  }
0x5d: {  	_ =	shalt  }
0x5e: {  	_ =	shalt  }
0x5f: {  	_ =	shalt  }
0x60: {  	_ =	shalt  }
0x61: {  	_ =	shalt  }
0x62: {  	_ =	shalt  }
0x63: {  	_ =	shalt  }
0x64: {  	_ =	shalt  }
0x65: {  	_ =	shalt  }
0x66: {  	_ =	shalt  }
0x67: {  	_ =	shalt  }
0x68: {  	_ =	shalt  }
0x69: {  	_ =	shalt  }
0x6a: {  	_ =	shalt  }
0x6b: {  	_ =	shalt  }
0x6c: {  	_ =	shalt  }
0x6d: {  	_ =	shalt  }
0x6e: {  	_ =	shalt  }
0x6f: {  	_ =	shalt  }
0x70: {  	_ =	shalt  }
0x71: {  	_ =	shalt  }
0x72: {  	_ =	shalt  }
0x73: {  	_ =	shalt  }
0x74: {  	_ =	shalt  }
0x75: {  	_ =	shalt  }
0x76: {  	_ =	shalt  }
0x77: {  	_ =	shalt  }
0x78: {  	_ =	shalt  }
0x79: {  	_ =	shalt  }
0x7a: {  	_ =	shalt  }
0x7b: {  	_ =	shalt  }
0x7c: {  	_ =	shalt  }
0x7d: {  	_ =	shalt  }
0x7e: {  	_ =	shalt  }
0x7f: {  	_ =	shalt  }
0x80: {  	_ =	shalt  }
0x81: {  	_ =	shalt  }
0x82: {  	_ =	shalt  }
0x83: {  	_ =	shalt  }
0x84: {  	_ =	shalt  }
0x85: {  	_ =	shalt  }
0x86: {  	_ =	shalt  }
0x87: {  	_ =	shalt  }
.Lfunc_end0:
.L_simem_size_0:
called_computation.1_lowered:
.L_overlay_start_0:
0x88: {  	s2 =	sld [smem:$0x3FD9]  }
0x89: {  	s3 =	sld [smem:$0x3FFE];
	_ =	sdelay $0x1  }
0x8a: {  	s1 =	srdreg.scid  }
0x8b: {  	s0 =	sand.u32 $0x1, s1  }
0x8c: {  	s17 =	sshll.u32 s0, $0xA;
	s2 =	sadd.s32 s3, s2  }
0x8d: {  	s2 =	sadd.s32 s2, s17  }
0x8e: {  	[smem:$0x3FC4] =	sst s2  }
0x8f: {  	_ = 	snop  }
0x90: {  	s2 =	sld [smem:$0x3FC9];
	(tm) =	ssettm $0x1  }
0x91: {  	s18 =	sld [smem:$0x3FFB];
	_ =	sdelay $0x3  }
0x92: {  	_ =	strace s18  }
0x93: {  	s3 =	sld [smem:$0x3FFC];
	_ =	sdelay $0x3  }
0x94: {  	_ =	strace s3  }
0x95: {  	s3 =	sld [smem:$0x3FFD];
	_ =	sdelay $0x3  }
0x96: {  	_ =	strace s3  }
0x97: {  	_ =	strace $0x8FFFFFFF  }
0x98: {  	s19 =	sld [smem:$0x3FDB];
	_ =	sdelay $0x1  }
0x99: {  	s4 =	simm.s32 $_scs_section_size  }
0x9a: {  	s5 =	simm.s32 $_size__tile_overlayer_lowered;
	s6 =	simm.s32 $_tile_overlayer_lowered  }
0x9b: {  	s22 =	simm.s32 $0x1BFF;
	s21 =	sshll.u32 s6, $0x1;
	s3 =	sadd.s32 s4, s19  }
0x9c: {  	s7 =	simm.s32 $0x0;
	s20 =	sshll.u32 s5, $0x1;
	s5 =	sadd.s32 s21, s3  }
0x9d: {  	[timem:s7], [sflag:s22] =	dma.local [hbm:s5], s20  }
0x9e: {  	_ =	swait.ge [sflag:s22], s20  }
0x9f: {  	s4 =	ssub.s32 $0x0, s20;
	[sflag:s22] =	ssyncset.done $0x0  }
0xa0: {  	[sflag:s22] =	ssyncadd.s32 s4;
	_ =	sdelay $0x1  }
0xa1: {  	s23 =	simm.s32 $0x1B8B  }
0xa2: {  	_ =	swait.ge [sflag:s23], $0x1  }
0xa3: {  	[sflag:s23] =	ssyncset.done $0x0  }
0xa4: {  	s25 =	simm.s32 $0x1B8E;
	s24 =	sld [smem:$0x3FFE];
	[sflag:s23] =	ssyncadd.s32 $0xFFFFFFFF  }
0xa5: {  	s26 =	simm.s32 $execute0_lowered;
	[smem:$0x3FD2] =	sst s25  }
0xa6: {  	s5 =	sshll.u32 s26, $0x1;
	_ =	strace $0x80000049;
	[dreg:$0x1] =	wrdreg $0xFFFFFFFF  }
0xa7: {  	s28 =	simm.s32 $_size_execute0_lowered;
	s3 =	sadd.s32 s3, s5;
	[dreg:$0x0] =	wrdreg $0x0  }
0xa8: {  	s5 =	sshll.u32 s28, $0x1;
	[dreg:$0x2] =	wrdreg s3  }
0xa9: {  	[dreg:$0x3] =	wrdreg s5  }
0xaa: {  	[dreg:$0x4] =	wrdreg $0xC0  }
0xab: {  	_ =	task [dreg:s7], $0x5FFFF  }
0xac: {  	[dreg:$0x1] =	wrdreg $0xFFFFFFFF  }
0xad: {  	[dreg:$0x0] =	wrdreg $0x60  }
0xae: {  	[dreg:$0x2] =	wrdreg s2  }
0xaf: {  	[dreg:$0x3] =	wrdreg s24  }
0xb0: {  	[dreg:$0x4] =	wrdreg $0x82000  }
0xb1: {  	[dreg:$0x5] =	wrdreg $0x9  }
0xb2: {  	_ =	task.clear_ibuf [dreg:s7], $0x6FFFF;
	_ =	strace $0x90000049  }
0xb3: {  	s29 =	simm.s32 $0x9;
	_ =	strace $0x8000004B  }
0xb4: {  	_ =	swait.ge [sflag:s29], $0x1  }
0xb5: {  	[sflag:s29] =	ssyncadd.s32 $0xFFFFFFFF  }
0xb6: {  	_ =	strace $0x9000004B  }
0xb7: {  	_ =	sfence  }
0xb8: {  	s30 =	sld [smem:$0x0];
	_ =	sdelay $0x2  }
0xb9: {  	s31 =	sshll.u32 s1, $0xD;
	s1 =	sshrl.u32 s1, $0x2  }
0xba: {  	s3 =	sand.u32 $0x4000, s31;
	s1 =	sadd.s32 s1, s30  }
0xbb: {  	s0 =	sor.u32 s3, s0;
	s1 =	sshll.u32 s1, $0x11  }
0xbc: {  	s0 =	sor.u32 s1, s0  }
0xbd: {  	s0 =	sadd.s32 $0x8F2B, s0  }
0xbe: {  	[sflag:s0] =	ssyncadd.remote.s32 $0x1  }
0xbf: {  	_ =	sfence.sel $0xFFFF  }
0xc0: {  	[dreg:$0x0] =	wrdreg $0xFFFFFFFF;
	(pc) =	sbr.abs _section_cstart, $3  }
0xc1: {  	[dreg:$0x1] =	wrdreg $0xFFFFFFFF  }
0xc2: {  	_ =	task.clear_ibuf [dreg:s7], $0x2FFFF;
	_ =	strace $0x9FFFFFFF  }
0xc3: {  	(tm) =	ssettm $0x7FFFFFFF  }
tec
execute0_lowered:
.L_overlay_start_1:
0x0: {  	(tag) =	ssettag $0x1  }
0x1: {  	s0 =	rddreg [dreg:$0x0]  }
0x2: {  	s6 =	rddreg [dreg:$0x1];
	s1 =	srdreg.scid  }
0x3: {  	s3 =	rddreg [dreg:$0x2];
	s2 =	stileid.u32  }
0x4: {  	s4 =	simm.s32 $0x0;
	s20 =	simm.s32 $0x200;
	s21 =	simm.s32 $0x4200  }
0x5: {  	s22 =	simm.s32 $0x100;
	s23 =	simm.s32 $0x1;
	s24 =	simm.s32 $0x180  }
0x6: {  	s7 =	sand.u32 $0x1, s1;
	s1 =	rddreg [dreg:$0x3];
	s8 =	smul.u32 $0x14000, s2  }
0x7: {  	s25 =	simm.s32 $0x0;
	[smem:$0x7FF] =	sst s4;
	s11 =	smul.u32 $0x50000, s2  }
0x8: {  	s16 =	sadd.s32 $0x5C000, s6;
	s15 =	sadd.s32 $0x1800, s6;
	s12 =	smul.u32 $0x2800, s2  }
0x9: {  	s29 =	sshll.u32 s2, $0x6;
	s5 =	smul.u32 $0x140000, s7;
	_ =	strace $0x8000004A  }
0xa: {  	s9 =	ssub.s32 $0x2, s7;
	s10 =	sshll.u32 s7, $0x4;
	s30 =	smul.u32 $0x28000, s7  }
0xb: {  	s26 =	sshrl.u32 s9, $0x1;
	s10 =	sor.u32 s2, s10;
	s28 =	sshrl.u32 s11, $0x2  }
0xc: {  	s8 =	sadd.s32 s8, s5;
	s5 =	sadd.s32 $0x66000, s6;
	s9 =	ssub.s32 s9, s26  }
0xd: {  	s10 =	smul.u32 $0x2800, s10;
	s17 =	sadd.s32 s28, s3;
	s18 =	sadd.s32 s12, s30  }
0xe: {  	s8 =	sshrl.u32 s8, $0x3;
	s9 =	smax.u32 s9, $0x1;
	s31 =	sor.u32 $0x80, s18  }
0xf: {  	s19 =	sor.u32 $0x100, s18;
	s18 =	sshrl.u32 s18, $0x3;
	s17 =	sshrl.u32 s17, $0x3  }
0x10: {  	s8 =	sadd.s32 s8, s6;
	s6 =	sor.u32 $0x1C02, s29;
	s10 =	sshrl.u32 s10, $0x3  }
0x11: {  	s19 =	sshrl.u32 s19, $0x3;
	s7 =	sadd.s32 s16, s10;
	s13 =	sadd.s32 $0x4F0, s10  }
0x12: {  	s8 =	sadd.s32 $0x68800, s8;
	s14 =	sadd.s32 s15, s10;
	s10 =	sadd.s32 s16, s13  }
0x13: {  	s11 =	sadd.s32 $0x4E0, s14;
	s12 =	sadd.s32 s15, s13;
	s14 =	sshrl.u32 s31, $0x3  }
0x14: {  	s13 =	sadd.s32 s14, s15;
	s14 =	sadd.s32 s14, s16;
	s15 =	sadd.s32 s18, s15  }
0x15: {  	s16 =	sadd.s32 s19, s16;
	s18 =	simm.s32 $0x2;
	s19 =	simm.s32 $0x80  }
.LBB2_1:
0x16: {  	[spmem:s17], [sflag:s6] =	dma.local [hbm:s5], $0x2800  }
0x17: {  	_ =	swait.ge [sflag:s18], $0x2800  }
0x18: {  	[sflag:s18] =	ssyncset.done $0x0  }
0x19: {  	[sflag:s18] =	ssyncadd.s32 $0xFFFFD800  }
0x1a: {  	[bflag:$0x0] =	sbarrier.arrive $0xFFFF  }
0x1b: {  	[tilespmem:s4], [sflag:$0x2] =	stream.linear.gather [hbm4b:s7+s4], $0x80, $0x38;
	[tilespmem:$0x1C200] =	vst v63  }
0x1c: {  	_ =	swait.ge [sflag:s18], $0x80  }
0x1d: {  	[sflag:s18] =	ssyncset.done $0x0  }
0x1e: {  	[sflag:s18] =	ssyncadd.s32 $0xFFFFFF80  }
0x1f: {  	[tilespmem:s20], [sflag:$0x2] =	stream.indirect.gather [hbm4b:s0+s19], $0x80, s4, s19, $0xb8;
	[tilespmem:$0x1C200] =	vst v63  }
0x20: {  	_ =	swait.ge [sflag:s18], $0x4000  }
0x21: {  	[sflag:s18] =	ssyncset.done $0x0  }
0x22: {  	s26 =	sadd.s32 $0x0, s14;
	[sflag:s18] =	ssyncadd.s32 $0xFFFFC000  }
0x23: {  	[tilespmem:s19], [sflag:$0x2] =	stream.linear.gather [hbm4b:s26+s4], $0x80, $0x38;
	[tilespmem:$0x1C200] =	vst v63  }
0x24: {  	_ =	swait.ge [sflag:s18], $0x80  }
0x25: {  	[sflag:s18] =	ssyncset.done $0x0  }
0x26: {  	[sflag:s18] =	ssyncadd.s32 $0xFFFFFF80  }
0x27: {  	[tilespmem:s21], [sflag:$0x1] =	stream.indirect.gather [hbm4b:s0+s19], $0x80, s19, s19, $0xb8;
	[tilespmem:$0x1C200] =	vst v63  }
0x28: {  	s28 =	sadd.s32 $0x0, s15  }
0x29: {  	[tilespmem:s22], [sflag:$0x2] =	stream.linear.gather [hbm4b:s28+s4], $0x80, $0x38;
	[tilespmem:$0x1C200] =	vst v63  }
0x2a: {  	_ =	swait.ge [sflag:s18], $0x80  }
0x2b: {  	[sflag:s18] =	ssyncset.done $0x0  }
0x2c: {  	[sflag:s18] =	ssyncadd.s32 $0xFFFFFF80  }
0x2d: {  	[spmem:s3] =	stream.indirect.scatter.add.f32 [tilespmem:s20], [sflag:$0x2], $0x80, s22, s19, $0xb8;
	[tilespmem:$0x1C200] =	vst v63  }
0x2e: {  	_ =	swait.ge [sflag:s18], $0x4000  }
0x2f: {  	[sflag:s18] =	ssyncset.done $0x0  }
0x30: {  	[sflag:s18] =	ssyncadd.s32 $0xFFFFC000  }
0x31: {  	_ =	swait.ge [sflag:s23], $0x4000  }
0x32: {  	[sflag:s23] =	ssyncset.done $0x0  }
0x33: {  	s30 =	sadd.s32 $0x0, s16;
	[sflag:s23] =	ssyncadd.s32 $0xFFFFC000  }
0x34: {  	[tilespmem:s4], [sflag:$0x2] =	stream.linear.gather [hbm4b:s30+s4], $0x80, $0x38;
	[tilespmem:$0x1C200] =	vst v63  }
0x35: {  	_ =	swait.ge [sflag:s18], $0x80  }
0x36: {  	[sflag:s18] =	ssyncset.done $0x0  }
0x37: {  	[sflag:s18] =	ssyncadd.s32 $0xFFFFFF80  }
0x38: {  	[tilespmem:s20], [sflag:$0x1] =	stream.indirect.gather [hbm4b:s0+s19], $0x80, s4, s19, $0xb8;
	[tilespmem:$0x1C200] =	vst v63  }
0x39: {  	s31 =	sadd.s32 $0x0, s13  }
0x3a: {  	[tilespmem:s24], [sflag:$0x2] =	stream.linear.gather [hbm4b:s31+s4], $0x80, $0x38;
	[tilespmem:$0x1C200] =	vst v63  }
0x3b: {  	_ =	swait.ge [sflag:s18], $0x80  }
0x3c: {  	[sflag:s18] =	ssyncset.done $0x0  }
0x3d: {  	[sflag:s18] =	ssyncadd.s32 $0xFFFFFF80  }
0x3e: {  	[spmem:s3] =	stream.indirect.scatter.add.f32 [tilespmem:s21], [sflag:$0x2], $0x80, s24, s19, $0xb8;
	[tilespmem:$0x1C200] =	vst v63  }
0x3f: {  	_ =	swait.ge [sflag:s18], $0x4000  }
0x40: {  	[sflag:s18] =	ssyncset.done $0x0  }
0x41: {  	[sflag:s18] =	ssyncadd.s32 $0xFFFFC000  }
0x42: {  	_ =	swait.ge [sflag:s23], $0x4000  }
0x43: {  	s29 =	simm.s32 $0x40;
	s26 =	simm.s32 $0x20;
	[sflag:s23] =	ssyncset.done $0x0  }
.LBB2_2:
0x44: {  	s30 =	sadd.s32 s26, s14  }
0x45: {  	[sflag:s23] =	ssyncadd.s32 $0xFFFFC000;
	s31 =	smov.u32 s29;
	s28 =	sadd.s32 $0x20, s29  }
0x46: {  	[tilespmem:s19], [sflag:$0x2] =	stream.linear.gather [hbm4b:s30+s4], $0x80, $0x38;
	[tilespmem:$0x1C200] =	vst v63  }
0x47: {  	p0 =	sne.s32 s29, $0x4C0;
	_ =	swait.ge [sflag:s18], $0x80  }
0x48: {  	[sflag:s18] =	ssyncset.done $0x0  }
0x49: {  	[sflag:s18] =	ssyncadd.s32 $0xFFFFFF80  }
0x4a: {  	[tilespmem:s21], [sflag:$0x1] =	stream.indirect.gather [hbm4b:s0+s19], $0x80, s19, s19, $0xb8;
	[tilespmem:$0x1C200] =	vst v63  }
0x4b: {  	s29 =	sadd.s32 s26, s15  }
0x4c: {  	[tilespmem:s22], [sflag:$0x2] =	stream.linear.gather [hbm4b:s29+s4], $0x80, $0x38;
	[tilespmem:$0x1C200] =	vst v63  }
0x4d: {  	_ =	swait.ge [sflag:s18], $0x80  }
0x4e: {  	[sflag:s18] =	ssyncset.done $0x0  }
0x4f: {  	[sflag:s18] =	ssyncadd.s32 $0xFFFFFF80  }
0x50: {  	[spmem:s3] =	stream.indirect.scatter.add.f32 [tilespmem:s20], [sflag:$0x2], $0x80, s22, s19, $0xb8;
	[tilespmem:$0x1C200] =	vst v63  }
0x51: {  	_ =	swait.ge [sflag:s18], $0x4000  }
0x52: {  	[sflag:s18] =	ssyncset.done $0x0  }
0x53: {  	[sflag:s18] =	ssyncadd.s32 $0xFFFFC000  }
0x54: {  	_ =	swait.ge [sflag:s23], $0x4000  }
0x55: {  	[sflag:s23] =	ssyncset.done $0x0  }
0x56: {  	s29 =	sadd.s32 s26, s16;
	[sflag:s23] =	ssyncadd.s32 $0xFFFFC000  }
0x57: {  	[tilespmem:s4], [sflag:$0x2] =	stream.linear.gather [hbm4b:s29+s4], $0x80, $0x38;
	[tilespmem:$0x1C200] =	vst v63  }
0x58: {  	_ =	swait.ge [sflag:s18], $0x80  }
0x59: {  	[sflag:s18] =	ssyncset.done $0x0  }
0x5a: {  	[sflag:s18] =	ssyncadd.s32 $0xFFFFFF80  }
0x5b: {  	[tilespmem:s20], [sflag:$0x1] =	stream.indirect.gather [hbm4b:s0+s19], $0x80, s4, s19, $0xb8;
	[tilespmem:$0x1C200] =	vst v63  }
0x5c: {  	s29 =	sadd.s32 s26, s13;
	s26 =	smov.u32 s31  }
0x5d: {  	[tilespmem:s24], [sflag:$0x2] =	stream.linear.gather [hbm4b:s29+s4], $0x80, $0x38;
	[tilespmem:$0x1C200] =	vst v63  }
0x5e: {  	_ =	swait.ge [sflag:s18], $0x80  }
0x5f: {  	[sflag:s18] =	ssyncset.done $0x0  }
0x60: {  	[sflag:s18] =	ssyncadd.s32 $0xFFFFFF80  }
0x61: {  	[spmem:s3] =	stream.indirect.scatter.add.f32 [tilespmem:s21], [sflag:$0x2], $0x80, s24, s19, $0xb8;
	[tilespmem:$0x1C200] =	vst v63  }
.Ltmp0:
0x62: {  	_ =	swait.ge [sflag:s18], $0x4000;
	(pc) =	sbr.rel @p0 .LBB2_2-.Ltmp0, $4  }
0x63: {  	[sflag:s18] =	ssyncset.done $0x0  }
0x64: {  	[sflag:s18] =	ssyncadd.s32 $0xFFFFC000  }
0x65: {  	_ =	swait.ge [sflag:s23], $0x4000  }
0x66: {  	s29 =	smov.u32 s28;
	[sflag:s23] =	ssyncset.done $0x0  }
0x67: {  	s28 =	sadd.s32 s26, s14;
	[sflag:s23] =	ssyncadd.s32 $0xFFFFC000  }
0x68: {  	[tilespmem:s19], [sflag:$0x2] =	stream.linear.gather [hbm4b:s28+s4], $0x80, $0x38;
	[tilespmem:$0x1C200] =	vst v63  }
0x69: {  	_ =	swait.ge [sflag:s18], $0x80  }
0x6a: {  	[sflag:s18] =	ssyncset.done $0x0  }
0x6b: {  	[sflag:s18] =	ssyncadd.s32 $0xFFFFFF80  }
0x6c: {  	[tilespmem:s21], [sflag:$0x1] =	stream.indirect.gather [hbm4b:s0+s19], $0x80, s19, s19, $0xb8;
	[tilespmem:$0x1C200] =	vst v63  }
0x6d: {  	s29 =	sadd.s32 s26, s15  }
0x6e: {  	[tilespmem:s22], [sflag:$0x2] =	stream.linear.gather [hbm4b:s29+s4], $0x80, $0x38;
	[tilespmem:$0x1C200] =	vst v63  }
0x6f: {  	_ =	swait.ge [sflag:s18], $0x80  }
0x70: {  	[sflag:s18] =	ssyncset.done $0x0  }
0x71: {  	[sflag:s18] =	ssyncadd.s32 $0xFFFFFF80  }
0x72: {  	[spmem:s3] =	stream.indirect.scatter.add.f32 [tilespmem:s20], [sflag:$0x2], $0x80, s22, s19, $0xb8;
	[tilespmem:$0x1C200] =	vst v63  }
0x73: {  	_ =	swait.ge [sflag:s18], $0x4000  }
0x74: {  	[sflag:s18] =	ssyncset.done $0x0  }
0x75: {  	[sflag:s18] =	ssyncadd.s32 $0xFFFFC000  }
0x76: {  	_ =	swait.ge [sflag:s23], $0x4000  }
0x77: {  	[sflag:s23] =	ssyncset.done $0x0  }
0x78: {  	s30 =	sadd.s32 s26, s16;
	[sflag:s23] =	ssyncadd.s32 $0xFFFFC000  }
0x79: {  	[tilespmem:s4], [sflag:$0x2] =	stream.linear.gather [hbm4b:s30+s4], $0x80, $0x38;
	[tilespmem:$0x1C200] =	vst v63  }
0x7a: {  	_ =	swait.ge [sflag:s18], $0x80  }
0x7b: {  	[sflag:s18] =	ssyncset.done $0x0  }
0x7c: {  	[sflag:s18] =	ssyncadd.s32 $0xFFFFFF80  }
0x7d: {  	[tilespmem:s20], [sflag:$0x1] =	stream.indirect.gather [hbm4b:s0+s19], $0x80, s4, s19, $0xb8;
	[tilespmem:$0x1C200] =	vst v63  }
0x7e: {  	s31 =	sadd.s32 s26, s13  }
0x7f: {  	[tilespmem:s24], [sflag:$0x2] =	stream.linear.gather [hbm4b:s31+s4], $0x80, $0x38;
	[tilespmem:$0x1C200] =	vst v63  }
0x80: {  	_ =	swait.ge [sflag:s18], $0x80  }
0x81: {  	[sflag:s18] =	ssyncset.done $0x0  }
0x82: {  	[sflag:s18] =	ssyncadd.s32 $0xFFFFFF80  }
0x83: {  	[spmem:s3] =	stream.indirect.scatter.add.f32 [tilespmem:s21], [sflag:$0x2], $0x80, s24, s19, $0xb8;
	[tilespmem:$0x1C200] =	vst v63  }
0x84: {  	_ =	swait.ge [sflag:s18], $0x4000  }
0x85: {  	[sflag:s18] =	ssyncset.done $0x0  }
0x86: {  	[sflag:s18] =	ssyncadd.s32 $0xFFFFC000  }
0x87: {  	_ =	swait.ge [sflag:s23], $0x4000  }
0x88: {  	[sflag:s23] =	ssyncset.done $0x0  }
0x89: {  	[sflag:s23] =	ssyncadd.s32 $0xFFFFC000  }
0x8a: {  	[tilespmem:s19], [sflag:$0x2] =	stream.linear.gather [hbm4b:s10+s4], $0x80, $0x38;
	[tilespmem:$0x1C200] =	vst v63  }
0x8b: {  	_ =	swait.ge [sflag:s18], $0x80  }
0x8c: {  	[sflag:s18] =	ssyncset.done $0x0  }
0x8d: {  	[sflag:s18] =	ssyncadd.s32 $0xFFFFFF80  }
0x8e: {  	[tilespmem:s21], [sflag:$0x1] =	stream.indirect.gather [hbm4b:s0+s19], $0x80, s19, s19, $0xb8;
	[tilespmem:$0x1C200] =	vst v63  }
0x8f: {  	_ = 	snop  }
0x90: {  	[tilespmem:s22], [sflag:$0x2] =	stream.linear.gather [hbm4b:s11+s4], $0x80, $0x38;
	[tilespmem:$0x1C200] =	vst v63  }
0x91: {  	_ =	swait.ge [sflag:s18], $0x80  }
0x92: {  	[sflag:s18] =	ssyncset.done $0x0  }
0x93: {  	[sflag:s18] =	ssyncadd.s32 $0xFFFFFF80  }
0x94: {  	[spmem:s3] =	stream.indirect.scatter.add.f32 [tilespmem:s20], [sflag:$0x2], $0x80, s22, s19, $0xb8;
	[tilespmem:$0x1C200] =	vst v63  }
0x95: {  	_ =	swait.ge [sflag:s18], $0x4000  }
0x96: {  	[sflag:s18] =	ssyncset.done $0x0  }
0x97: {  	[sflag:s18] =	ssyncadd.s32 $0xFFFFC000  }
0x98: {  	_ =	swait.ge [sflag:s23], $0x4000  }
0x99: {  	[sflag:s23] =	ssyncset.done $0x0  }
0x9a: {  	[sflag:s23] =	ssyncadd.s32 $0xFFFFC000  }
0x9b: {  	[tilespmem:s4], [sflag:$0x2] =	stream.linear.gather [hbm4b:s10+s4], $0x80, $0x38;
	[tilespmem:$0x1C200] =	vst v63  }
0x9c: {  	_ =	swait.ge [sflag:s18], $0x80  }
0x9d: {  	[sflag:s18] =	ssyncset.done $0x0  }
0x9e: {  	[sflag:s18] =	ssyncadd.s32 $0xFFFFFF80  }
0x9f: {  	[tilespmem:s20], [sflag:$0x1] =	stream.indirect.gather [hbm4b:s0+s19], $0x80, s4, s19, $0xb8;
	[tilespmem:$0x1C200] =	vst v63  }
0xa0: {  	_ = 	snop  }
0xa1: {  	[tilespmem:s24], [sflag:$0x2] =	stream.linear.gather [hbm4b:s12+s4], $0x80, $0x38;
	[tilespmem:$0x1C200] =	vst v63  }
0xa2: {  	_ =	swait.ge [sflag:s18], $0x80  }
0xa3: {  	[sflag:s18] =	ssyncset.done $0x0  }
0xa4: {  	[sflag:s18] =	ssyncadd.s32 $0xFFFFFF80  }
0xa5: {  	[spmem:s3] =	stream.indirect.scatter.add.f32 [tilespmem:s21], [sflag:$0x2], $0x80, s24, s19, $0xb8;
	[tilespmem:$0x1C200] =	vst v63  }
0xa6: {  	_ =	swait.ge [sflag:s18], $0x4000  }
0xa7: {  	[sflag:s18] =	ssyncset.done $0x0  }
0xa8: {  	[sflag:s18] =	ssyncadd.s32 $0xFFFFC000  }
0xa9: {  	_ =	swait.ge [sflag:s23], $0x4000  }
0xaa: {  	s25 =	sadd.s32 $0x1, s25;
	[sflag:s23] =	ssyncset.done $0x0  }
0xab: {  	p0 =	sne.s32 s25, s9;
	[sflag:s23] =	ssyncadd.s32 $0xFFFFC000  }
.Ltmp1:
0xac: {  	[bflag:$0x0] =	sbarrier.arrive $0xFFFF;
	(pc) =	sbr.rel @p0 .LBB2_1-.Ltmp1, $4  }
0xad: {  	[hbm:s8], [sflag:s6] =	dma.local [spmem:s17], $0x2800  }
0xae: {  	_ =	swait.ge [sflag:s18], $0x2800  }
0xaf: {  	[sflag:s18] =	ssyncset.done $0x0  }
0xb0: {  	[sflag:s18] =	ssyncadd.s32 $0xFFFFD800  }
0xb1: {  	_ =	sfence.sel $0x180000  }
0xb2: {  	[bflag:$0x0] =	sbarrier.arrive $0xFFFF  }
0xb3: {  	p0 =	sne.s32 s2, $0x0;
	_ =	strace $0x9000004A  }
0xb4: {  	s0 =	sadd.s32 @!p0 $0x100000, s1;
	[bflag:$0x2] =	sbarrier.arrive $0xFFFF  }
0xb5: {  	[sflag:s0] =	ssyncadd.tile.s32 @!p0 $0x1;
	_ =	shalt  }
.Lfunc_end2:
_tile_overlayer_lowered:
.L_overlay_start_2:
0xb6: {  	(tag) =	ssettag $0x2  }
0xb7: {  	s0 =	rddreg [dreg:$0x0];
	s2 =	stileid.u32  }
0xb8: {  	s1 =	rddreg [dreg:$0x1];
	p0 =	sne.s32 s2, $0x0  }
0xb9: {  	s3 =	rddreg [dreg:$0x2];
	[bflag:$0x3] =	sbarrier.arrive $0xFFFF;
	s2 =	simm.s32 @!p0 $0x1C02  }
0xba: {  	[timem:s3], [sflag:s2] =	dma.local @!p0 [hbm:s0], s1  }
0xbb: {  	s0 =	simm.s32 @!p0 $0x2  }
0xbc: {  	_ =	swait.ge @!p0 [sflag:s0], s1  }
0xbd: {  	s1 =	ssub.s32 @!p0 $0x0, s1;
	[sflag:s0] =	ssyncset.done @!p0 $0x0  }
0xbe: {  	[sflag:s0] =	ssyncadd.s32 @!p0 s1  }
0xbf: {  	[bflag:$0x3] =	sbarrier.arrive $0xFFFF  }
0xc0: {  	_ =	shalt  }

// kernel: kernel.14.cloned.1.call-start
scs
__scs_entry_jumppad:
0x0: {  	(pc) =	sbr.rel $0x88, $3  }
0x1: {  	(tag) =	ssettag $0x0;
	lr =	simm.s32 $0x1  }
0x2: {  	[smem:$0x3F9D] =	sst lr;
	_ =	strace $0xD0000000  }
0x3: {  	_ = 	snop  }
0x4: {  	_ = 	snop  }
0x5: {  	_ = 	snop  }
0x6: {  	_ = 	snop  }
0x7: {  	_ = 	snop  }
__scs_overlays_trampoline_lowered:
0x8: {  	[smem:$0x3FAC] =	sst s0  }
0x9: {  	[smem:$0x3FAD] =	sst s1  }
0xa: {  	[smem:$0x3FAE] =	sst s2  }
0xb: {  	[smem:$0x3FAF] =	sst s3  }
0xc: {  	[smem:$0x3FB0] =	sst s4  }
0xd: {  	[smem:$0x3FB1] =	sst s5  }
0xe: {  	[smem:$0x3FB2] =	sst s6  }
0xf: {  	[smem:$0x3FB3] =	sst s7  }
0x10: {  	[smem:$0x3FB4] =	sst s8  }
0x11: {  	[smem:$0x3FB5] =	sst s9;
	s0 =	simm.s32 @!p0 $0x0  }
0x12: {  	s1 =	sld [smem:$0x3F9B];
	s0 =	simm.s32 @p0 $0x1  }
0x13: {  	[smem:$0x3FB6] =	sst s0;
	s0 =	simm.s32 @!p1 $0x0  }
0x14: {  	s2 =	sld [smem:$0x3F9A];
	s0 =	simm.s32 @p1 $0x1  }
0x15: {  	[smem:$0x3FB7] =	sst s0;
	s0 =	simm.s32 @!p2 $0x0  }
0x16: {  	s3 =	sld [smem:$0x3FDB];
	s0 =	simm.s32 @p2 $0x1  }
0x17: {  	s4 =	simm.s32 $0x1BF5;
	[smem:$0x3FB9] =	sst s0  }
0x18: {  	s0 =	sld [smem:$0x3F9C];
	_ =	swait.ge [sflag:s4], $0x0  }
0x19: {  	s7 =	sld [smem:$0x3F9D]  }
0x1a: {  	s8 =	sadd.s32 $0xFFFFE003, lr  }
0x1b: {  	s9 =	sadd.s32 $0xFFFFFEF7, lr;
	s5 =	simm.s32 $0xFFFFFFFF;
	p2 =	slt.u32 s8, $0xFFFFF086  }
0x1c: {  	p1 =	slt.u32 s9, $0xF7A;
	s5 =	simm.s32 @!p2 $0x0  }
0x1d: {  	s5 =	simm.s32 @p1 $0x1;
	p0 =	seq.s32 s7, s2  }
0x1e: {  	s7 =	smul.u32 @!p0 $0xF7A, s2;
	p2 =	seq.s32 @!p0 s5, $0x0  }
0x1f: {  	s9 =	smul.u32 $0xF7A, s1;
	s8 =	simm.s32 @!p0 $0x1BF5;
	p2 =	por !p2, p0  }
0x20: {  	[sflag:s8] =	ssyncset.s32 @!p0 $0xFFFFF086;
	s6 =	sadd.s32 @!p0 s3, s7;
	s7 =	simm.s32 @!p0 $0x108  }
0x21: {  	s3 =	sadd.s32 s3, s9;
	s6 =	sadd.s32 @!p0 $0x88, s6;
	s7 =	simm.s32 @p2 $0x1082  }
0x22: {  	[simem:s7], [sflag:s8] =	dma.local @!p0 [hbm:s6], $0xF7A  }
0x23: {  	s9 =	sor.u32 $0xD0000000, s2;
	s6 =	simm.s32 $0x108;
	_ =	swait.ge @!p0 [sflag:s8], $0x0  }
0x24: {  	s3 =	sadd.s32 $0x88, s3;
	s6 =	simm.s32 @!p1 $0x1082;
	[sflag:s4] =	ssyncset.s32 $0xFFFFF086  }
0x25: {  	[simem:s6], [sflag:s4] =	dma.local [hbm:s3], $0xF7A  }
0x26: {  	[smem:$0x3F9D] =	sst s1;
	(tag) =	ssettag s2;
	_ =	strace s9  }
0x27: {  	s1 =	sld [smem:$0x3FAD]  }
0x28: {  	s2 =	sld [smem:$0x3FAE]  }
0x29: {  	s4 =	sld [smem:$0x3FB0]  }
0x2a: {  	p0 =	seq.s32 s5, $0x0;
	s5 =	sld [smem:$0x3FB1]  }
0x2b: {  	s6 =	sld [smem:$0x3FB2]  }
0x2c: {  	s7 =	sld [smem:$0x3FB3]  }
0x2d: {  	s3 =	simm.s32 $0x108;
	s8 =	sld [smem:$0x3FB4]  }
0x2e: {  	s3 =	simm.s32 @!p0 $0x1082;
	s9 =	sld [smem:$0x3FB5]  }
0x2f: {  	lr =	sadd.s32 s0, s3;
	s0 =	sld [smem:$0x3FAC]  }
0x30: {  	s3 =	sld [smem:$0x3FAF]  }
0x31: {  	[smem:$0x3FB8] =	sst s10  }
0x32: {  	s10 =	sld [smem:$0x3FB6];
	_ =	sdelay $0x3  }
0x33: {  	p0 =	seq.s32 s10, $0x1;
	s10 =	sld [smem:$0x3FB8];
	_ =	sdelay $0x3  }
0x34: {  	[smem:$0x3FB8] =	sst s10  }
0x35: {  	s10 =	sld [smem:$0x3FB7];
	_ =	sdelay $0x3  }
0x36: {  	p1 =	seq.s32 s10, $0x1;
	s10 =	sld [smem:$0x3FB8];
	_ =	sdelay $0x3  }
0x37: {  	[smem:$0x3FB8] =	sst s10  }
0x38: {  	s10 =	sld [smem:$0x3FB9]  }
0x39: {  	_ = 	snop;
	(pc) =	sbr.ind lr, $3  }
0x3a: {  	_ = 	snop  }
0x3b: {  	_ = 	snop  }
0x3c: {  	p2 =	seq.s32 s10, $0x1;
	s10 =	sld [smem:$0x3FB8]  }
0x3d: {  	_ =	shalt  }
0x3e: {  	_ =	shalt  }
0x3f: {  	_ =	shalt  }
0x40: {  	_ =	shalt  }
0x41: {  	_ =	shalt  }
0x42: {  	_ =	shalt  }
0x43: {  	_ =	shalt  }
0x44: {  	_ =	shalt  }
0x45: {  	_ =	shalt  }
0x46: {  	_ =	shalt  }
0x47: {  	_ =	shalt  }
0x48: {  	_ =	shalt  }
0x49: {  	_ =	shalt  }
0x4a: {  	_ =	shalt  }
0x4b: {  	_ =	shalt  }
0x4c: {  	_ =	shalt  }
0x4d: {  	_ =	shalt  }
0x4e: {  	_ =	shalt  }
0x4f: {  	_ =	shalt  }
0x50: {  	_ =	shalt  }
0x51: {  	_ =	shalt  }
0x52: {  	_ =	shalt  }
0x53: {  	_ =	shalt  }
0x54: {  	_ =	shalt  }
0x55: {  	_ =	shalt  }
0x56: {  	_ =	shalt  }
0x57: {  	_ =	shalt  }
0x58: {  	_ =	shalt  }
0x59: {  	_ =	shalt  }
0x5a: {  	_ =	shalt  }
0x5b: {  	_ =	shalt  }
0x5c: {  	_ =	shalt  }
0x5d: {  	_ =	shalt  }
0x5e: {  	_ =	shalt  }
0x5f: {  	_ =	shalt  }
0x60: {  	_ =	shalt  }
0x61: {  	_ =	shalt  }
0x62: {  	_ =	shalt  }
0x63: {  	_ =	shalt  }
0x64: {  	_ =	shalt  }
0x65: {  	_ =	shalt  }
0x66: {  	_ =	shalt  }
0x67: {  	_ =	shalt  }
0x68: {  	_ =	shalt  }
0x69: {  	_ =	shalt  }
0x6a: {  	_ =	shalt  }
0x6b: {  	_ =	shalt  }
0x6c: {  	_ =	shalt  }
0x6d: {  	_ =	shalt  }
0x6e: {  	_ =	shalt  }
0x6f: {  	_ =	shalt  }
0x70: {  	_ =	shalt  }
0x71: {  	_ =	shalt  }
0x72: {  	_ =	shalt  }
0x73: {  	_ =	shalt  }
0x74: {  	_ =	shalt  }
0x75: {  	_ =	shalt  }
0x76: {  	_ =	shalt  }
0x77: {  	_ =	shalt  }
0x78: {  	_ =	shalt  }
0x79: {  	_ =	shalt  }
0x7a: {  	_ =	shalt  }
0x7b: {  	_ =	shalt  }
0x7c: {  	_ =	shalt  }
0x7d: {  	_ =	shalt  }
0x7e: {  	_ =	shalt  }
0x7f: {  	_ =	shalt  }
0x80: {  	_ =	shalt  }
0x81: {  	_ =	shalt  }
0x82: {  	_ =	shalt  }
0x83: {  	_ =	shalt  }
0x84: {  	_ =	shalt  }
0x85: {  	_ =	shalt  }
0x86: {  	_ =	shalt  }
0x87: {  	_ =	shalt  }
.Lfunc_end0:
.L_simem_size_0:
called_computation.2_lowered:
.L_overlay_start_0:
0x88: {  	s2 =	sld [smem:$0x3FD9]  }
0x89: {  	s3 =	sld [smem:$0x3FFE];
	_ =	sdelay $0x1  }
0x8a: {  	s1 =	srdreg.scid  }
0x8b: {  	s0 =	sand.u32 $0x1, s1  }
0x8c: {  	s17 =	sshll.u32 s0, $0xA;
	s2 =	sadd.s32 s3, s2  }
0x8d: {  	s2 =	sadd.s32 s2, s17  }
0x8e: {  	[smem:$0x3FC4] =	sst s2  }
0x8f: {  	_ = 	snop  }
0x90: {  	s2 =	sld [smem:$0x3FD0];
	(tm) =	ssettm $0x1  }
0x91: {  	s18 =	sld [smem:$0x3FFB];
	_ =	sdelay $0x3  }
0x92: {  	_ =	strace s18  }
0x93: {  	s3 =	sld [smem:$0x3FFC];
	_ =	sdelay $0x3  }
0x94: {  	_ =	strace s3  }
0x95: {  	s3 =	sld [smem:$0x3FFD];
	_ =	sdelay $0x3  }
0x96: {  	_ =	strace s3  }
0x97: {  	_ =	strace $0x8FFFFFFF  }
0x98: {  	s19 =	sld [smem:$0x3FDB];
	_ =	sdelay $0x1  }
0x99: {  	s4 =	simm.s32 $_scs_section_size  }
0x9a: {  	s5 =	simm.s32 $_size__tile_overlayer_lowered;
	s6 =	simm.s32 $_tile_overlayer_lowered  }
0x9b: {  	s22 =	simm.s32 $0x1BFF;
	s21 =	sshll.u32 s6, $0x1;
	s3 =	sadd.s32 s4, s19  }
0x9c: {  	s7 =	simm.s32 $0x0;
	s20 =	sshll.u32 s5, $0x1;
	s5 =	sadd.s32 s21, s3  }
0x9d: {  	[timem:s7], [sflag:s22] =	dma.local [hbm:s5], s20  }
0x9e: {  	_ =	swait.ge [sflag:s22], s20  }
0x9f: {  	s4 =	ssub.s32 $0x0, s20;
	[sflag:s22] =	ssyncset.done $0x0  }
0xa0: {  	[sflag:s22] =	ssyncadd.s32 s4;
	_ =	sdelay $0x1  }
0xa1: {  	s23 =	simm.s32 $0x1B8B  }
0xa2: {  	_ =	swait.ge [sflag:s23], $0x1  }
0xa3: {  	[sflag:s23] =	ssyncset.done $0x0  }
0xa4: {  	s25 =	simm.s32 $0x1B8E;
	s24 =	sld [smem:$0x3FFE];
	[sflag:s23] =	ssyncadd.s32 $0xFFFFFFFF  }
0xa5: {  	s26 =	simm.s32 $execute0_lowered;
	[smem:$0x3FD2] =	sst s25  }
0xa6: {  	s5 =	sshll.u32 s26, $0x1;
	_ =	strace $0x8000004C;
	[dreg:$0x1] =	wrdreg $0xFFFFFFFF  }
0xa7: {  	s28 =	simm.s32 $_size_execute0_lowered;
	s3 =	sadd.s32 s3, s5;
	[dreg:$0x0] =	wrdreg $0x0  }
0xa8: {  	s5 =	sshll.u32 s28, $0x1;
	[dreg:$0x2] =	wrdreg s3  }
0xa9: {  	[dreg:$0x3] =	wrdreg s5  }
0xaa: {  	[dreg:$0x4] =	wrdreg $0xC0  }
0xab: {  	_ =	task [dreg:s7], $0x5FFFF  }
0xac: {  	[dreg:$0x1] =	wrdreg $0xFFFFFFFF  }
0xad: {  	[dreg:$0x0] =	wrdreg $0x60  }
0xae: {  	[dreg:$0x2] =	wrdreg s2  }
0xaf: {  	[dreg:$0x3] =	wrdreg s24  }
0xb0: {  	[dreg:$0x4] =	wrdreg $0x82000  }
0xb1: {  	[dreg:$0x5] =	wrdreg $0x9  }
0xb2: {  	_ =	task.clear_ibuf [dreg:s7], $0x6FFFF;
	_ =	strace $0x9000004C  }
0xb3: {  	s29 =	simm.s32 $0x9;
	_ =	strace $0x8000004E  }
0xb4: {  	_ =	swait.ge [sflag:s29], $0x1  }
0xb5: {  	[sflag:s29] =	ssyncadd.s32 $0xFFFFFFFF  }
0xb6: {  	_ =	strace $0x9000004E  }
0xb7: {  	_ =	sfence  }
0xb8: {  	s30 =	sld [smem:$0x0];
	_ =	sdelay $0x2  }
0xb9: {  	s31 =	sshll.u32 s1, $0xD;
	s1 =	sshrl.u32 s1, $0x2  }
0xba: {  	s3 =	sand.u32 $0x4000, s31;
	s1 =	sadd.s32 s1, s30  }
0xbb: {  	s0 =	sor.u32 s3, s0;
	s1 =	sshll.u32 s1, $0x11  }
0xbc: {  	s0 =	sor.u32 s1, s0  }
0xbd: {  	s0 =	sadd.s32 $0x8F2B, s0  }
0xbe: {  	[sflag:s0] =	ssyncadd.remote.s32 $0x1  }
0xbf: {  	_ =	sfence.sel $0xFFFF  }
0xc0: {  	[dreg:$0x0] =	wrdreg $0xFFFFFFFF;
	(pc) =	sbr.abs _section_cstart, $3  }
0xc1: {  	[dreg:$0x1] =	wrdreg $0xFFFFFFFF  }
0xc2: {  	_ =	task.clear_ibuf [dreg:s7], $0x2FFFF;
	_ =	strace $0x9FFFFFFF  }
0xc3: {  	(tm) =	ssettm $0x7FFFFFFF  }
tec
execute0_lowered:
.L_overlay_start_1:
0x0: {  	(tag) =	ssettag $0x1  }
0x1: {  	s0 =	rddreg [dreg:$0x0]  }
0x2: {  	s6 =	rddreg [dreg:$0x1];
	s1 =	srdreg.scid  }
0x3: {  	s3 =	rddreg [dreg:$0x2];
	s2 =	stileid.u32  }
0x4: {  	s4 =	simm.s32 $0x0;
	s20 =	simm.s32 $0x200;
	s21 =	simm.s32 $0x4200  }
0x5: {  	s22 =	simm.s32 $0x100;
	s23 =	simm.s32 $0x1;
	s24 =	simm.s32 $0x180  }
0x6: {  	s7 =	sand.u32 $0x1, s1;
	s1 =	rddreg [dreg:$0x3];
	s8 =	smul.u32 $0x14000, s2  }
0x7: {  	s25 =	simm.s32 $0x0;
	[smem:$0x7FF] =	sst s4;
	s11 =	smul.u32 $0x50000, s2  }
0x8: {  	s16 =	sadd.s32 $0x5C000, s6;
	s15 =	sadd.s32 $0x1800, s6;
	s12 =	smul.u32 $0x2800, s2  }
0x9: {  	s29 =	sshll.u32 s2, $0x6;
	s5 =	smul.u32 $0x140000, s7;
	_ =	strace $0x8000004D  }
0xa: {  	s9 =	ssub.s32 $0x2, s7;
	s10 =	sshll.u32 s7, $0x4;
	s30 =	smul.u32 $0x28000, s7  }
0xb: {  	s26 =	sshrl.u32 s9, $0x1;
	s10 =	sor.u32 s2, s10;
	s28 =	sshrl.u32 s11, $0x2  }
0xc: {  	s8 =	sadd.s32 s8, s5;
	s5 =	sadd.s32 $0x66000, s6;
	s9 =	ssub.s32 s9, s26  }
0xd: {  	s10 =	smul.u32 $0x2800, s10;
	s17 =	sadd.s32 s28, s3;
	s18 =	sadd.s32 s12, s30  }
0xe: {  	s8 =	sshrl.u32 s8, $0x3;
	s9 =	smax.u32 s9, $0x1;
	s31 =	sor.u32 $0x80, s18  }
0xf: {  	s19 =	sor.u32 $0x100, s18;
	s18 =	sshrl.u32 s18, $0x3;
	s17 =	sshrl.u32 s17, $0x3  }
0x10: {  	s8 =	sadd.s32 s8, s6;
	s6 =	sor.u32 $0x1C02, s29;
	s10 =	sshrl.u32 s10, $0x3  }
0x11: {  	s19 =	sshrl.u32 s19, $0x3;
	s7 =	sadd.s32 s16, s10;
	s13 =	sadd.s32 $0x4F0, s10  }
0x12: {  	s8 =	sadd.s32 $0xB800, s8;
	s14 =	sadd.s32 s15, s10;
	s10 =	sadd.s32 s16, s13  }
0x13: {  	s11 =	sadd.s32 $0x4E0, s14;
	s12 =	sadd.s32 s15, s13;
	s14 =	sshrl.u32 s31, $0x3  }
0x14: {  	s13 =	sadd.s32 s14, s15;
	s14 =	sadd.s32 s14, s16;
	s15 =	sadd.s32 s18, s15  }
0x15: {  	s16 =	sadd.s32 s19, s16;
	s18 =	simm.s32 $0x2;
	s19 =	simm.s32 $0x80  }
.LBB2_1:
0x16: {  	[spmem:s17], [sflag:s6] =	dma.local [hbm:s5], $0x2800  }
0x17: {  	_ =	swait.ge [sflag:s18], $0x2800  }
0x18: {  	[sflag:s18] =	ssyncset.done $0x0  }
0x19: {  	[sflag:s18] =	ssyncadd.s32 $0xFFFFD800  }
0x1a: {  	[bflag:$0x0] =	sbarrier.arrive $0xFFFF  }
0x1b: {  	[tilespmem:s4], [sflag:$0x2] =	stream.linear.gather [hbm4b:s7+s4], $0x80, $0x38;
	[tilespmem:$0x1C200] =	vst v63  }
0x1c: {  	_ =	swait.ge [sflag:s18], $0x80  }
0x1d: {  	[sflag:s18] =	ssyncset.done $0x0  }
0x1e: {  	[sflag:s18] =	ssyncadd.s32 $0xFFFFFF80  }
0x1f: {  	[tilespmem:s20], [sflag:$0x2] =	stream.indirect.gather [hbm4b:s0+s19], $0x80, s4, s19, $0xb8;
	[tilespmem:$0x1C200] =	vst v63  }
0x20: {  	_ =	swait.ge [sflag:s18], $0x4000  }
0x21: {  	[sflag:s18] =	ssyncset.done $0x0  }
0x22: {  	s26 =	sadd.s32 $0x0, s14;
	[sflag:s18] =	ssyncadd.s32 $0xFFFFC000  }
0x23: {  	[tilespmem:s19], [sflag:$0x2] =	stream.linear.gather [hbm4b:s26+s4], $0x80, $0x38;
	[tilespmem:$0x1C200] =	vst v63  }
0x24: {  	_ =	swait.ge [sflag:s18], $0x80  }
0x25: {  	[sflag:s18] =	ssyncset.done $0x0  }
0x26: {  	[sflag:s18] =	ssyncadd.s32 $0xFFFFFF80  }
0x27: {  	[tilespmem:s21], [sflag:$0x1] =	stream.indirect.gather [hbm4b:s0+s19], $0x80, s19, s19, $0xb8;
	[tilespmem:$0x1C200] =	vst v63  }
0x28: {  	s28 =	sadd.s32 $0x0, s15  }
0x29: {  	[tilespmem:s22], [sflag:$0x2] =	stream.linear.gather [hbm4b:s28+s4], $0x80, $0x38;
	[tilespmem:$0x1C200] =	vst v63  }
0x2a: {  	_ =	swait.ge [sflag:s18], $0x80  }
0x2b: {  	[sflag:s18] =	ssyncset.done $0x0  }
0x2c: {  	[sflag:s18] =	ssyncadd.s32 $0xFFFFFF80  }
0x2d: {  	[spmem:s3] =	stream.indirect.scatter.add.f32 [tilespmem:s20], [sflag:$0x2], $0x80, s22, s19, $0xb8;
	[tilespmem:$0x1C200] =	vst v63  }
0x2e: {  	_ =	swait.ge [sflag:s18], $0x4000  }
0x2f: {  	[sflag:s18] =	ssyncset.done $0x0  }
0x30: {  	[sflag:s18] =	ssyncadd.s32 $0xFFFFC000  }
0x31: {  	_ =	swait.ge [sflag:s23], $0x4000  }
0x32: {  	[sflag:s23] =	ssyncset.done $0x0  }
0x33: {  	s30 =	sadd.s32 $0x0, s16;
	[sflag:s23] =	ssyncadd.s32 $0xFFFFC000  }
0x34: {  	[tilespmem:s4], [sflag:$0x2] =	stream.linear.gather [hbm4b:s30+s4], $0x80, $0x38;
	[tilespmem:$0x1C200] =	vst v63  }
0x35: {  	_ =	swait.ge [sflag:s18], $0x80  }
0x36: {  	[sflag:s18] =	ssyncset.done $0x0  }
0x37: {  	[sflag:s18] =	ssyncadd.s32 $0xFFFFFF80  }
0x38: {  	[tilespmem:s20], [sflag:$0x1] =	stream.indirect.gather [hbm4b:s0+s19], $0x80, s4, s19, $0xb8;
	[tilespmem:$0x1C200] =	vst v63  }
0x39: {  	s31 =	sadd.s32 $0x0, s13  }
0x3a: {  	[tilespmem:s24], [sflag:$0x2] =	stream.linear.gather [hbm4b:s31+s4], $0x80, $0x38;
	[tilespmem:$0x1C200] =	vst v63  }
0x3b: {  	_ =	swait.ge [sflag:s18], $0x80  }
0x3c: {  	[sflag:s18] =	ssyncset.done $0x0  }
0x3d: {  	[sflag:s18] =	ssyncadd.s32 $0xFFFFFF80  }
0x3e: {  	[spmem:s3] =	stream.indirect.scatter.add.f32 [tilespmem:s21], [sflag:$0x2], $0x80, s24, s19, $0xb8;
	[tilespmem:$0x1C200] =	vst v63  }
0x3f: {  	_ =	swait.ge [sflag:s18], $0x4000  }
0x40: {  	[sflag:s18] =	ssyncset.done $0x0  }
0x41: {  	[sflag:s18] =	ssyncadd.s32 $0xFFFFC000  }
0x42: {  	_ =	swait.ge [sflag:s23], $0x4000  }
0x43: {  	s29 =	simm.s32 $0x40;
	s26 =	simm.s32 $0x20;
	[sflag:s23] =	ssyncset.done $0x0  }
.LBB2_2:
0x44: {  	s30 =	sadd.s32 s26, s14  }
0x45: {  	[sflag:s23] =	ssyncadd.s32 $0xFFFFC000;
	s31 =	smov.u32 s29;
	s28 =	sadd.s32 $0x20, s29  }
0x46: {  	[tilespmem:s19], [sflag:$0x2] =	stream.linear.gather [hbm4b:s30+s4], $0x80, $0x38;
	[tilespmem:$0x1C200] =	vst v63  }
0x47: {  	p0 =	sne.s32 s29, $0x4C0;
	_ =	swait.ge [sflag:s18], $0x80  }
0x48: {  	[sflag:s18] =	ssyncset.done $0x0  }
0x49: {  	[sflag:s18] =	ssyncadd.s32 $0xFFFFFF80  }
0x4a: {  	[tilespmem:s21], [sflag:$0x1] =	stream.indirect.gather [hbm4b:s0+s19], $0x80, s19, s19, $0xb8;
	[tilespmem:$0x1C200] =	vst v63  }
0x4b: {  	s29 =	sadd.s32 s26, s15  }
0x4c: {  	[tilespmem:s22], [sflag:$0x2] =	stream.linear.gather [hbm4b:s29+s4], $0x80, $0x38;
	[tilespmem:$0x1C200] =	vst v63  }
0x4d: {  	_ =	swait.ge [sflag:s18], $0x80  }
0x4e: {  	[sflag:s18] =	ssyncset.done $0x0  }
0x4f: {  	[sflag:s18] =	ssyncadd.s32 $0xFFFFFF80  }
0x50: {  	[spmem:s3] =	stream.indirect.scatter.add.f32 [tilespmem:s20], [sflag:$0x2], $0x80, s22, s19, $0xb8;
	[tilespmem:$0x1C200] =	vst v63  }
0x51: {  	_ =	swait.ge [sflag:s18], $0x4000  }
0x52: {  	[sflag:s18] =	ssyncset.done $0x0  }
0x53: {  	[sflag:s18] =	ssyncadd.s32 $0xFFFFC000  }
0x54: {  	_ =	swait.ge [sflag:s23], $0x4000  }
0x55: {  	[sflag:s23] =	ssyncset.done $0x0  }
0x56: {  	s29 =	sadd.s32 s26, s16;
	[sflag:s23] =	ssyncadd.s32 $0xFFFFC000  }
0x57: {  	[tilespmem:s4], [sflag:$0x2] =	stream.linear.gather [hbm4b:s29+s4], $0x80, $0x38;
	[tilespmem:$0x1C200] =	vst v63  }
0x58: {  	_ =	swait.ge [sflag:s18], $0x80  }
0x59: {  	[sflag:s18] =	ssyncset.done $0x0  }
0x5a: {  	[sflag:s18] =	ssyncadd.s32 $0xFFFFFF80  }
0x5b: {  	[tilespmem:s20], [sflag:$0x1] =	stream.indirect.gather [hbm4b:s0+s19], $0x80, s4, s19, $0xb8;
	[tilespmem:$0x1C200] =	vst v63  }
0x5c: {  	s29 =	sadd.s32 s26, s13;
	s26 =	smov.u32 s31  }
0x5d: {  	[tilespmem:s24], [sflag:$0x2] =	stream.linear.gather [hbm4b:s29+s4], $0x80, $0x38;
	[tilespmem:$0x1C200] =	vst v63  }
0x5e: {  	_ =	swait.ge [sflag:s18], $0x80  }
0x5f: {  	[sflag:s18] =	ssyncset.done $0x0  }
0x60: {  	[sflag:s18] =	ssyncadd.s32 $0xFFFFFF80  }
0x61: {  	[spmem:s3] =	stream.indirect.scatter.add.f32 [tilespmem:s21], [sflag:$0x2], $0x80, s24, s19, $0xb8;
	[tilespmem:$0x1C200] =	vst v63  }
.Ltmp0:
0x62: {  	_ =	swait.ge [sflag:s18], $0x4000;
	(pc) =	sbr.rel @p0 .LBB2_2-.Ltmp0, $4  }
0x63: {  	[sflag:s18] =	ssyncset.done $0x0  }
0x64: {  	[sflag:s18] =	ssyncadd.s32 $0xFFFFC000  }
0x65: {  	_ =	swait.ge [sflag:s23], $0x4000  }
0x66: {  	s29 =	smov.u32 s28;
	[sflag:s23] =	ssyncset.done $0x0  }
0x67: {  	s28 =	sadd.s32 s26, s14;
	[sflag:s23] =	ssyncadd.s32 $0xFFFFC000  }
0x68: {  	[tilespmem:s19], [sflag:$0x2] =	stream.linear.gather [hbm4b:s28+s4], $0x80, $0x38;
	[tilespmem:$0x1C200] =	vst v63  }
0x69: {  	_ =	swait.ge [sflag:s18], $0x80  }
0x6a: {  	[sflag:s18] =	ssyncset.done $0x0  }
0x6b: {  	[sflag:s18] =	ssyncadd.s32 $0xFFFFFF80  }
0x6c: {  	[tilespmem:s21], [sflag:$0x1] =	stream.indirect.gather [hbm4b:s0+s19], $0x80, s19, s19, $0xb8;
	[tilespmem:$0x1C200] =	vst v63  }
0x6d: {  	s29 =	sadd.s32 s26, s15  }
0x6e: {  	[tilespmem:s22], [sflag:$0x2] =	stream.linear.gather [hbm4b:s29+s4], $0x80, $0x38;
	[tilespmem:$0x1C200] =	vst v63  }
0x6f: {  	_ =	swait.ge [sflag:s18], $0x80  }
0x70: {  	[sflag:s18] =	ssyncset.done $0x0  }
0x71: {  	[sflag:s18] =	ssyncadd.s32 $0xFFFFFF80  }
0x72: {  	[spmem:s3] =	stream.indirect.scatter.add.f32 [tilespmem:s20], [sflag:$0x2], $0x80, s22, s19, $0xb8;
	[tilespmem:$0x1C200] =	vst v63  }
0x73: {  	_ =	swait.ge [sflag:s18], $0x4000  }
0x74: {  	[sflag:s18] =	ssyncset.done $0x0  }
0x75: {  	[sflag:s18] =	ssyncadd.s32 $0xFFFFC000  }
0x76: {  	_ =	swait.ge [sflag:s23], $0x4000  }
0x77: {  	[sflag:s23] =	ssyncset.done $0x0  }
0x78: {  	s30 =	sadd.s32 s26, s16;
	[sflag:s23] =	ssyncadd.s32 $0xFFFFC000  }
0x79: {  	[tilespmem:s4], [sflag:$0x2] =	stream.linear.gather [hbm4b:s30+s4], $0x80, $0x38;
	[tilespmem:$0x1C200] =	vst v63  }
0x7a: {  	_ =	swait.ge [sflag:s18], $0x80  }
0x7b: {  	[sflag:s18] =	ssyncset.done $0x0  }
0x7c: {  	[sflag:s18] =	ssyncadd.s32 $0xFFFFFF80  }
0x7d: {  	[tilespmem:s20], [sflag:$0x1] =	stream.indirect.gather [hbm4b:s0+s19], $0x80, s4, s19, $0xb8;
	[tilespmem:$0x1C200] =	vst v63  }
0x7e: {  	s31 =	sadd.s32 s26, s13  }
0x7f: {  	[tilespmem:s24], [sflag:$0x2] =	stream.linear.gather [hbm4b:s31+s4], $0x80, $0x38;
	[tilespmem:$0x1C200] =	vst v63  }
0x80: {  	_ =	swait.ge [sflag:s18], $0x80  }
0x81: {  	[sflag:s18] =	ssyncset.done $0x0  }
0x82: {  	[sflag:s18] =	ssyncadd.s32 $0xFFFFFF80  }
0x83: {  	[spmem:s3] =	stream.indirect.scatter.add.f32 [tilespmem:s21], [sflag:$0x2], $0x80, s24, s19, $0xb8;
	[tilespmem:$0x1C200] =	vst v63  }
0x84: {  	_ =	swait.ge [sflag:s18], $0x4000  }
0x85: {  	[sflag:s18] =	ssyncset.done $0x0  }
0x86: {  	[sflag:s18] =	ssyncadd.s32 $0xFFFFC000  }
0x87: {  	_ =	swait.ge [sflag:s23], $0x4000  }
0x88: {  	[sflag:s23] =	ssyncset.done $0x0  }
0x89: {  	[sflag:s23] =	ssyncadd.s32 $0xFFFFC000  }
0x8a: {  	[tilespmem:s19], [sflag:$0x2] =	stream.linear.gather [hbm4b:s10+s4], $0x80, $0x38;
	[tilespmem:$0x1C200] =	vst v63  }
0x8b: {  	_ =	swait.ge [sflag:s18], $0x80  }
0x8c: {  	[sflag:s18] =	ssyncset.done $0x0  }
0x8d: {  	[sflag:s18] =	ssyncadd.s32 $0xFFFFFF80  }
0x8e: {  	[tilespmem:s21], [sflag:$0x1] =	stream.indirect.gather [hbm4b:s0+s19], $0x80, s19, s19, $0xb8;
	[tilespmem:$0x1C200] =	vst v63  }
0x8f: {  	_ = 	snop  }
0x90: {  	[tilespmem:s22], [sflag:$0x2] =	stream.linear.gather [hbm4b:s11+s4], $0x80, $0x38;
	[tilespmem:$0x1C200] =	vst v63  }
0x91: {  	_ =	swait.ge [sflag:s18], $0x80  }
0x92: {  	[sflag:s18] =	ssyncset.done $0x0  }
0x93: {  	[sflag:s18] =	ssyncadd.s32 $0xFFFFFF80  }
0x94: {  	[spmem:s3] =	stream.indirect.scatter.add.f32 [tilespmem:s20], [sflag:$0x2], $0x80, s22, s19, $0xb8;
	[tilespmem:$0x1C200] =	vst v63  }
0x95: {  	_ =	swait.ge [sflag:s18], $0x4000  }
0x96: {  	[sflag:s18] =	ssyncset.done $0x0  }
0x97: {  	[sflag:s18] =	ssyncadd.s32 $0xFFFFC000  }
0x98: {  	_ =	swait.ge [sflag:s23], $0x4000  }
0x99: {  	[sflag:s23] =	ssyncset.done $0x0  }
0x9a: {  	[sflag:s23] =	ssyncadd.s32 $0xFFFFC000  }
0x9b: {  	[tilespmem:s4], [sflag:$0x2] =	stream.linear.gather [hbm4b:s10+s4], $0x80, $0x38;
	[tilespmem:$0x1C200] =	vst v63  }
0x9c: {  	_ =	swait.ge [sflag:s18], $0x80  }
0x9d: {  	[sflag:s18] =	ssyncset.done $0x0  }
0x9e: {  	[sflag:s18] =	ssyncadd.s32 $0xFFFFFF80  }
0x9f: {  	[tilespmem:s20], [sflag:$0x1] =	stream.indirect.gather [hbm4b:s0+s19], $0x80, s4, s19, $0xb8;
	[tilespmem:$0x1C200] =	vst v63  }
0xa0: {  	_ = 	snop  }
0xa1: {  	[tilespmem:s24], [sflag:$0x2] =	stream.linear.gather [hbm4b:s12+s4], $0x80, $0x38;
	[tilespmem:$0x1C200] =	vst v63  }
0xa2: {  	_ =	swait.ge [sflag:s18], $0x80  }
0xa3: {  	[sflag:s18] =	ssyncset.done $0x0  }
0xa4: {  	[sflag:s18] =	ssyncadd.s32 $0xFFFFFF80  }
0xa5: {  	[spmem:s3] =	stream.indirect.scatter.add.f32 [tilespmem:s21], [sflag:$0x2], $0x80, s24, s19, $0xb8;
	[tilespmem:$0x1C200] =	vst v63  }
0xa6: {  	_ =	swait.ge [sflag:s18], $0x4000  }
0xa7: {  	[sflag:s18] =	ssyncset.done $0x0  }
0xa8: {  	[sflag:s18] =	ssyncadd.s32 $0xFFFFC000  }
0xa9: {  	_ =	swait.ge [sflag:s23], $0x4000  }
0xaa: {  	s25 =	sadd.s32 $0x1, s25;
	[sflag:s23] =	ssyncset.done $0x0  }
0xab: {  	p0 =	sne.s32 s25, s9;
	[sflag:s23] =	ssyncadd.s32 $0xFFFFC000  }
.Ltmp1:
0xac: {  	[bflag:$0x0] =	sbarrier.arrive $0xFFFF;
	(pc) =	sbr.rel @p0 .LBB2_1-.Ltmp1, $4  }
0xad: {  	[hbm:s8], [sflag:s6] =	dma.local [spmem:s17], $0x2800  }
0xae: {  	_ =	swait.ge [sflag:s18], $0x2800  }
0xaf: {  	[sflag:s18] =	ssyncset.done $0x0  }
0xb0: {  	[sflag:s18] =	ssyncadd.s32 $0xFFFFD800  }
0xb1: {  	_ =	sfence.sel $0x180000  }
0xb2: {  	[bflag:$0x0] =	sbarrier.arrive $0xFFFF  }
0xb3: {  	p0 =	sne.s32 s2, $0x0;
	_ =	strace $0x9000004D  }
0xb4: {  	s0 =	sadd.s32 @!p0 $0x100000, s1;
	[bflag:$0x2] =	sbarrier.arrive $0xFFFF  }
0xb5: {  	[sflag:s0] =	ssyncadd.tile.s32 @!p0 $0x1;
	_ =	shalt  }
.Lfunc_end2:
_tile_overlayer_lowered:
.L_overlay_start_2:
0xb6: {  	(tag) =	ssettag $0x2  }
0xb7: {  	s0 =	rddreg [dreg:$0x0];
	s2 =	stileid.u32  }
0xb8: {  	s1 =	rddreg [dreg:$0x1];
	p0 =	sne.s32 s2, $0x0  }
0xb9: {  	s3 =	rddreg [dreg:$0x2];
	[bflag:$0x3] =	sbarrier.arrive $0xFFFF;
	s2 =	simm.s32 @!p0 $0x1C02  }
0xba: {  	[timem:s3], [sflag:s2] =	dma.local @!p0 [hbm:s0], s1  }
0xbb: {  	s0 =	simm.s32 @!p0 $0x2  }
0xbc: {  	_ =	swait.ge @!p0 [sflag:s0], s1  }
0xbd: {  	s1 =	ssub.s32 @!p0 $0x0, s1;
	[sflag:s0] =	ssyncset.done @!p0 $0x0  }
0xbe: {  	[sflag:s0] =	ssyncadd.s32 @!p0 s1  }
0xbf: {  	[bflag:$0x3] =	sbarrier.arrive $0xFFFF  }
0xc0: {  	_ =	shalt  }

// kernel: kernel.8.cloned.1.call-start
scs
__scs_entry_jumppad:
0x0: {  	(pc) =	sbr.rel $0x88, $3  }
0x1: {  	(tag) =	ssettag $0x0;
	lr =	simm.s32 $0x1  }
0x2: {  	[smem:$0x3F9D] =	sst lr;
	_ =	strace $0xD0000000  }
0x3: {  	_ = 	snop  }
0x4: {  	_ = 	snop  }
0x5: {  	_ = 	snop  }
0x6: {  	_ = 	snop  }
0x7: {  	_ = 	snop  }
__scs_overlays_trampoline_lowered:
0x8: {  	[smem:$0x3FAC] =	sst s0  }
0x9: {  	[smem:$0x3FAD] =	sst s1  }
0xa: {  	[smem:$0x3FAE] =	sst s2  }
0xb: {  	[smem:$0x3FAF] =	sst s3  }
0xc: {  	[smem:$0x3FB0] =	sst s4  }
0xd: {  	[smem:$0x3FB1] =	sst s5  }
0xe: {  	[smem:$0x3FB2] =	sst s6  }
0xf: {  	[smem:$0x3FB3] =	sst s7  }
0x10: {  	[smem:$0x3FB4] =	sst s8  }
0x11: {  	[smem:$0x3FB5] =	sst s9;
	s0 =	simm.s32 @!p0 $0x0  }
0x12: {  	s1 =	sld [smem:$0x3F9B];
	s0 =	simm.s32 @p0 $0x1  }
0x13: {  	[smem:$0x3FB6] =	sst s0;
	s0 =	simm.s32 @!p1 $0x0  }
0x14: {  	s2 =	sld [smem:$0x3F9A];
	s0 =	simm.s32 @p1 $0x1  }
0x15: {  	[smem:$0x3FB7] =	sst s0;
	s0 =	simm.s32 @!p2 $0x0  }
0x16: {  	s3 =	sld [smem:$0x3FDB];
	s0 =	simm.s32 @p2 $0x1  }
0x17: {  	s4 =	simm.s32 $0x1BF5;
	[smem:$0x3FB9] =	sst s0  }
0x18: {  	s0 =	sld [smem:$0x3F9C];
	_ =	swait.ge [sflag:s4], $0x0  }
0x19: {  	s7 =	sld [smem:$0x3F9D]  }
0x1a: {  	s8 =	sadd.s32 $0xFFFFE003, lr  }
0x1b: {  	s9 =	sadd.s32 $0xFFFFFEF7, lr;
	s5 =	simm.s32 $0xFFFFFFFF;
	p2 =	slt.u32 s8, $0xFFFFF086  }
0x1c: {  	p1 =	slt.u32 s9, $0xF7A;
	s5 =	simm.s32 @!p2 $0x0  }
0x1d: {  	s5 =	simm.s32 @p1 $0x1;
	p0 =	seq.s32 s7, s2  }
0x1e: {  	s7 =	smul.u32 @!p0 $0xF7A, s2;
	p2 =	seq.s32 @!p0 s5, $0x0  }
0x1f: {  	s9 =	smul.u32 $0xF7A, s1;
	s8 =	simm.s32 @!p0 $0x1BF5;
	p2 =	por !p2, p0  }
0x20: {  	[sflag:s8] =	ssyncset.s32 @!p0 $0xFFFFF086;
	s6 =	sadd.s32 @!p0 s3, s7;
	s7 =	simm.s32 @!p0 $0x108  }
0x21: {  	s3 =	sadd.s32 s3, s9;
	s6 =	sadd.s32 @!p0 $0x88, s6;
	s7 =	simm.s32 @p2 $0x1082  }
0x22: {  	[simem:s7], [sflag:s8] =	dma.local @!p0 [hbm:s6], $0xF7A  }
0x23: {  	s9 =	sor.u32 $0xD0000000, s2;
	s6 =	simm.s32 $0x108;
	_ =	swait.ge @!p0 [sflag:s8], $0x0  }
0x24: {  	s3 =	sadd.s32 $0x88, s3;
	s6 =	simm.s32 @!p1 $0x1082;
	[sflag:s4] =	ssyncset.s32 $0xFFFFF086  }
0x25: {  	[simem:s6], [sflag:s4] =	dma.local [hbm:s3], $0xF7A  }
0x26: {  	[smem:$0x3F9D] =	sst s1;
	(tag) =	ssettag s2;
	_ =	strace s9  }
0x27: {  	s1 =	sld [smem:$0x3FAD]  }
0x28: {  	s2 =	sld [smem:$0x3FAE]  }
0x29: {  	s4 =	sld [smem:$0x3FB0]  }
0x2a: {  	p0 =	seq.s32 s5, $0x0;
	s5 =	sld [smem:$0x3FB1]  }
0x2b: {  	s6 =	sld [smem:$0x3FB2]  }
0x2c: {  	s7 =	sld [smem:$0x3FB3]  }
0x2d: {  	s3 =	simm.s32 $0x108;
	s8 =	sld [smem:$0x3FB4]  }
0x2e: {  	s3 =	simm.s32 @!p0 $0x1082;
	s9 =	sld [smem:$0x3FB5]  }
0x2f: {  	lr =	sadd.s32 s0, s3;
	s0 =	sld [smem:$0x3FAC]  }
0x30: {  	s3 =	sld [smem:$0x3FAF]  }
0x31: {  	[smem:$0x3FB8] =	sst s10  }
0x32: {  	s10 =	sld [smem:$0x3FB6];
	_ =	sdelay $0x3  }
0x33: {  	p0 =	seq.s32 s10, $0x1;
	s10 =	sld [smem:$0x3FB8];
	_ =	sdelay $0x3  }
0x34: {  	[smem:$0x3FB8] =	sst s10  }
0x35: {  	s10 =	sld [smem:$0x3FB7];
	_ =	sdelay $0x3  }
0x36: {  	p1 =	seq.s32 s10, $0x1;
	s10 =	sld [smem:$0x3FB8];
	_ =	sdelay $0x3  }
0x37: {  	[smem:$0x3FB8] =	sst s10  }
0x38: {  	s10 =	sld [smem:$0x3FB9]  }
0x39: {  	_ = 	snop;
	(pc) =	sbr.ind lr, $3  }
0x3a: {  	_ = 	snop  }
0x3b: {  	_ = 	snop  }
0x3c: {  	p2 =	seq.s32 s10, $0x1;
	s10 =	sld [smem:$0x3FB8]  }
0x3d: {  	_ =	shalt  }
0x3e: {  	_ =	shalt  }
0x3f: {  	_ =	shalt  }
0x40: {  	_ =	shalt  }
0x41: {  	_ =	shalt  }
0x42: {  	_ =	shalt  }
0x43: {  	_ =	shalt  }
0x44: {  	_ =	shalt  }
0x45: {  	_ =	shalt  }
0x46: {  	_ =	shalt  }
0x47: {  	_ =	shalt  }
0x48: {  	_ =	shalt  }
0x49: {  	_ =	shalt  }
0x4a: {  	_ =	shalt  }
0x4b: {  	_ =	shalt  }
0x4c: {  	_ =	shalt  }
0x4d: {  	_ =	shalt  }
0x4e: {  	_ =	shalt  }
0x4f: {  	_ =	shalt  }
0x50: {  	_ =	shalt  }
0x51: {  	_ =	shalt  }
0x52: {  	_ =	shalt  }
0x53: {  	_ =	shalt  }
0x54: {  	_ =	shalt  }
0x55: {  	_ =	shalt  }
0x56: {  	_ =	shalt  }
0x57: {  	_ =	shalt  }
0x58: {  	_ =	shalt  }
0x59: {  	_ =	shalt  }
0x5a: {  	_ =	shalt  }
0x5b: {  	_ =	shalt  }
0x5c: {  	_ =	shalt  }
0x5d: {  	_ =	shalt  }
0x5e: {  	_ =	shalt  }
0x5f: {  	_ =	shalt  }
0x60: {  	_ =	shalt  }
0x61: {  	_ =	shalt  }
0x62: {  	_ =	shalt  }
0x63: {  	_ =	shalt  }
0x64: {  	_ =	shalt  }
0x65: {  	_ =	shalt  }
0x66: {  	_ =	shalt  }
0x67: {  	_ =	shalt  }
0x68: {  	_ =	shalt  }
0x69: {  	_ =	shalt  }
0x6a: {  	_ =	shalt  }
0x6b: {  	_ =	shalt  }
0x6c: {  	_ =	shalt  }
0x6d: {  	_ =	shalt  }
0x6e: {  	_ =	shalt  }
0x6f: {  	_ =	shalt  }
0x70: {  	_ =	shalt  }
0x71: {  	_ =	shalt  }
0x72: {  	_ =	shalt  }
0x73: {  	_ =	shalt  }
0x74: {  	_ =	shalt  }
0x75: {  	_ =	shalt  }
0x76: {  	_ =	shalt  }
0x77: {  	_ =	shalt  }
0x78: {  	_ =	shalt  }
0x79: {  	_ =	shalt  }
0x7a: {  	_ =	shalt  }
0x7b: {  	_ =	shalt  }
0x7c: {  	_ =	shalt  }
0x7d: {  	_ =	shalt  }
0x7e: {  	_ =	shalt  }
0x7f: {  	_ =	shalt  }
0x80: {  	_ =	shalt  }
0x81: {  	_ =	shalt  }
0x82: {  	_ =	shalt  }
0x83: {  	_ =	shalt  }
0x84: {  	_ =	shalt  }
0x85: {  	_ =	shalt  }
0x86: {  	_ =	shalt  }
0x87: {  	_ =	shalt  }
.Lfunc_end0:
.L_simem_size_0:
called_computation_lowered:
.L_overlay_start_0:
0x88: {  	s2 =	sld [smem:$0x3FD9]  }
0x89: {  	s3 =	sld [smem:$0x3FFE];
	_ =	sdelay $0x1  }
0x8a: {  	s1 =	srdreg.scid  }
0x8b: {  	s0 =	sand.u32 $0x1, s1  }
0x8c: {  	s17 =	sshll.u32 s0, $0xA;
	s2 =	sadd.s32 s3, s2  }
0x8d: {  	s2 =	sadd.s32 s2, s17  }
0x8e: {  	[smem:$0x3FC4] =	sst s2  }
0x8f: {  	_ = 	snop  }
0x90: {  	s2 =	sld [smem:$0x3FD0];
	(tm) =	ssettm $0x1  }
0x91: {  	s18 =	sld [smem:$0x3FFB];
	_ =	sdelay $0x3  }
0x92: {  	_ =	strace s18  }
0x93: {  	s3 =	sld [smem:$0x3FFC];
	_ =	sdelay $0x3  }
0x94: {  	_ =	strace s3  }
0x95: {  	s3 =	sld [smem:$0x3FFD];
	_ =	sdelay $0x3  }
0x96: {  	_ =	strace s3  }
0x97: {  	_ =	strace $0x8FFFFFFF  }
0x98: {  	s19 =	sld [smem:$0x3FDB];
	_ =	sdelay $0x1  }
0x99: {  	s4 =	simm.s32 $_scs_section_size  }
0x9a: {  	s5 =	simm.s32 $_size__tile_overlayer_lowered;
	s6 =	simm.s32 $_tile_overlayer_lowered  }
0x9b: {  	s22 =	simm.s32 $0x1BFF;
	s21 =	sshll.u32 s6, $0x1;
	s3 =	sadd.s32 s4, s19  }
0x9c: {  	s7 =	simm.s32 $0x0;
	s20 =	sshll.u32 s5, $0x1;
	s5 =	sadd.s32 s21, s3  }
0x9d: {  	[timem:s7], [sflag:s22] =	dma.local [hbm:s5], s20  }
0x9e: {  	_ =	swait.ge [sflag:s22], s20  }
0x9f: {  	s4 =	ssub.s32 $0x0, s20;
	[sflag:s22] =	ssyncset.done $0x0  }
0xa0: {  	[sflag:s22] =	ssyncadd.s32 s4;
	_ =	sdelay $0x1  }
0xa1: {  	s23 =	simm.s32 $0x1B8B  }
0xa2: {  	_ =	swait.ge [sflag:s23], $0x1  }
0xa3: {  	[sflag:s23] =	ssyncset.done $0x0  }
0xa4: {  	s25 =	simm.s32 $0x1B8E;
	s24 =	sld [smem:$0x3FFE];
	[sflag:s23] =	ssyncadd.s32 $0xFFFFFFFF  }
0xa5: {  	s26 =	simm.s32 $execute0_lowered;
	[smem:$0x3FD2] =	sst s25  }
0xa6: {  	s5 =	sshll.u32 s26, $0x1;
	_ =	strace $0x80000046;
	[dreg:$0x1] =	wrdreg $0xFFFFFFFF  }
0xa7: {  	s28 =	simm.s32 $_size_execute0_lowered;
	s3 =	sadd.s32 s3, s5;
	[dreg:$0x0] =	wrdreg $0x0  }
0xa8: {  	s5 =	sshll.u32 s28, $0x1;
	[dreg:$0x2] =	wrdreg s3  }
0xa9: {  	[dreg:$0x3] =	wrdreg s5  }
0xaa: {  	[dreg:$0x4] =	wrdreg $0xC0  }
0xab: {  	_ =	task [dreg:s7], $0x5FFFF  }
0xac: {  	[dreg:$0x1] =	wrdreg $0xFFFFFFFF  }
0xad: {  	[dreg:$0x0] =	wrdreg $0x60  }
0xae: {  	[dreg:$0x2] =	wrdreg s24  }
0xaf: {  	[dreg:$0x3] =	wrdreg s2  }
0xb0: {  	[dreg:$0x4] =	wrdreg $0x40800  }
0xb1: {  	[dreg:$0x5] =	wrdreg $0x9  }
0xb2: {  	_ =	task.clear_ibuf [dreg:s7], $0x6FFFF;
	_ =	strace $0x90000046  }
0xb3: {  	s29 =	simm.s32 $0x9;
	_ =	strace $0x80000048  }
0xb4: {  	_ =	swait.ge [sflag:s29], $0x1  }
0xb5: {  	[sflag:s29] =	ssyncadd.s32 $0xFFFFFFFF  }
0xb6: {  	_ =	strace $0x90000048  }
0xb7: {  	_ =	sfence  }
0xb8: {  	s30 =	sld [smem:$0x0];
	_ =	sdelay $0x2  }
0xb9: {  	s31 =	sshll.u32 s1, $0xD;
	s1 =	sshrl.u32 s1, $0x2  }
0xba: {  	s3 =	sand.u32 $0x4000, s31;
	s1 =	sadd.s32 s1, s30  }
0xbb: {  	s0 =	sor.u32 s3, s0;
	s1 =	sshll.u32 s1, $0x11  }
0xbc: {  	s0 =	sor.u32 s1, s0  }
0xbd: {  	s0 =	sadd.s32 $0x8F2B, s0  }
0xbe: {  	[sflag:s0] =	ssyncadd.remote.s32 $0x1  }
0xbf: {  	_ =	sfence.sel $0xFFFF  }
0xc0: {  	[dreg:$0x0] =	wrdreg $0xFFFFFFFF;
	(pc) =	sbr.abs _section_cstart, $3  }
0xc1: {  	[dreg:$0x1] =	wrdreg $0xFFFFFFFF  }
0xc2: {  	_ =	task.clear_ibuf [dreg:s7], $0x2FFFF;
	_ =	strace $0x9FFFFFFF  }
0xc3: {  	(tm) =	ssettm $0x7FFFFFFF  }
tec
execute0_lowered:
.L_overlay_start_1:
0x0: {  	(tag) =	ssettag $0x1  }
0x1: {  	s6 =	rddreg [dreg:$0x0]  }
0x2: {  	s2 =	rddreg [dreg:$0x1];
	s1 =	stileid.u32  }
0x3: {  	s0 =	srdreg.scid;
	s8 =	smul.u32 $0x14000, s1  }
0x4: {  	s3 =	rddreg [dreg:$0x2];
	s4 =	simm.s32 $0x0;
	s10 =	smul.u32 $0x50000, s1  }
0x5: {  	s7 =	sand.u32 $0x1, s0;
	s0 =	rddreg [dreg:$0x3];
	s11 =	smul.u32 $0x500, s1  }
0x6: {  	s13 =	simm.s32 $0x0;
	[smem:$0x7FF] =	sst s4;
	s5 =	smul.u32 $0x140000, s7  }
0x7: {  	s30 =	sshll.u32 s1, $0x6;
	s9 =	smul.u32 $0x5000, s7;
	s29 =	ssub.s32 $0x2, s7  }
0x8: {  	_ =	strace $0x80000047;
	s7 =	sshrl.u32 s29, $0x1;
	s10 =	sshrl.u32 s10, $0x2  }
0x9: {  	s5 =	sadd.s32 s8, s5;
	s26 =	sadd.s32 s9, s6;
	s12 =	ssub.s32 s29, s7  }
0xa: {  	s10 =	sadd.s32 s10, s3;
	s28 =	sshrl.u32 s5, $0x3;
	s5 =	sadd.s32 $0xB800, s6  }
0xb: {  	s31 =	sadd.s32 s11, s26;
	s8 =	smax.u32 s12, $0x1;
	s10 =	sshrl.u32 s10, $0x3  }
0xc: {  	s11 =	simm.s32 $0x1;
	s12 =	simm.s32 $0x80;
	s9 =	sadd.s32 s28, s6  }
0xd: {  	s6 =	sor.u32 $0x1C01, s30;
	s7 =	sadd.s32 $0xC000, s9;
	s9 =	sadd.s32 $0x1800, s31  }
.LBB2_1:
0xe: {  	[spmem:s10], [sflag:s6] =	dma.local [hbm:s2], $0x2800  }
0xf: {  	_ =	swait.ge [sflag:s11], $0x2800  }
0x10: {  	[sflag:s11] =	ssyncset.done $0x0  }
0x11: {  	[sflag:s11] =	ssyncadd.s32 $0xFFFFD800  }
0x12: {  	[tilespmem:s12], [sflag:$0x1] =	stream.linear.gather [hbm4b:s5+s4], $0x4000, $0x38;
	[tilespmem:$0x18080] =	vst v63  }
0x13: {  	_ =	swait.ge [sflag:s11], $0x4000  }
0x14: {  	[sflag:s11] =	ssyncset.done $0x0  }
0x15: {  	[sflag:s11] =	ssyncadd.s32 $0xFFFFC000  }
0x16: {  	s14 =	sadd.s32 $0x0, s9;
	[bflag:$0x0] =	sbarrier.arrive $0xFFFF  }
0x17: {  	[tilespmem:s4], [sflag:$0x1] =	stream.linear.gather [hbm4b:s14+s4], $0x80, $0x38;
	[tilespmem:$0x18080] =	vst v63  }
0x18: {  	_ =	swait.ge [sflag:s11], $0x80  }
0x19: {  	[sflag:s11] =	ssyncset.done $0x0  }
0x1a: {  	[sflag:s11] =	ssyncadd.s32 $0xFFFFFF80  }
0x1b: {  	[spmem:s3] =	stream.indirect.scatter.add.f32 [tilespmem:s12], [sflag:$0x1], $0x80, s4, s12, $0xb8;
	[tilespmem:$0x18080] =	vst v63  }
0x1c: {  	_ =	swait.ge [sflag:s11], $0x4000  }
0x1d: {  	s15 =	simm.s32 $0x20;
	s14 =	simm.s32 $0x10;
	[sflag:s11] =	ssyncset.done $0x0  }
.LBB2_2:
0x1e: {  	s16 =	sadd.s32 s14, s9  }
0x1f: {  	[sflag:s11] =	ssyncadd.s32 $0xFFFFC000;
	s14 =	smov.u32 s15;
	s17 =	sadd.s32 $0x10, s15  }
0x20: {  	[tilespmem:s4], [sflag:$0x1] =	stream.linear.gather [hbm4b:s16+s4], $0x80, $0x38;
	[tilespmem:$0x18080] =	vst v63  }
0x21: {  	p0 =	sne.s32 s15, $0x4F0;
	_ =	swait.ge [sflag:s11], $0x80  }
.Ltmp0:
0x22: {  	[sflag:s11] =	ssyncset.done $0x0;
	(pc) =	sbr.rel @p0 .LBB2_2-.Ltmp0, $4  }
0x23: {  	[sflag:s11] =	ssyncadd.s32 $0xFFFFFF80  }
0x24: {  	[spmem:s3] =	stream.indirect.scatter.add.f32 [tilespmem:s12], [sflag:$0x1], $0x80, s4, s12, $0xb8;
	[tilespmem:$0x18080] =	vst v63  }
0x25: {  	_ =	swait.ge [sflag:s11], $0x4000  }
0x26: {  	s15 =	smov.u32 s17;
	[sflag:s11] =	ssyncset.done $0x0  }
0x27: {  	s14 =	sadd.s32 s14, s9;
	[sflag:s11] =	ssyncadd.s32 $0xFFFFC000  }
0x28: {  	[tilespmem:s4], [sflag:$0x1] =	stream.linear.gather [hbm4b:s14+s4], $0x80, $0x38;
	[tilespmem:$0x18080] =	vst v63  }
0x29: {  	_ =	swait.ge [sflag:s11], $0x80  }
0x2a: {  	[sflag:s11] =	ssyncset.done $0x0  }
0x2b: {  	[sflag:s11] =	ssyncadd.s32 $0xFFFFFF80  }
0x2c: {  	[spmem:s3] =	stream.indirect.scatter.add.f32 [tilespmem:s12], [sflag:$0x1], $0x80, s4, s12, $0xb8;
	[tilespmem:$0x18080] =	vst v63  }
0x2d: {  	_ =	swait.ge [sflag:s11], $0x4000  }
0x2e: {  	s13 =	sadd.s32 $0x1, s13;
	[sflag:s11] =	ssyncset.done $0x0  }
0x2f: {  	p0 =	sne.s32 s13, s8;
	[sflag:s11] =	ssyncadd.s32 $0xFFFFC000  }
.Ltmp1:
0x30: {  	[bflag:$0x0] =	sbarrier.arrive $0xFFFF;
	(pc) =	sbr.rel @p0 .LBB2_1-.Ltmp1, $4  }
0x31: {  	[hbm:s7], [sflag:s6] =	dma.local [spmem:s10], $0x2800  }
0x32: {  	_ =	swait.ge [sflag:s11], $0x2800  }
0x33: {  	[sflag:s11] =	ssyncset.done $0x0  }
0x34: {  	[sflag:s11] =	ssyncadd.s32 $0xFFFFD800  }
0x35: {  	_ =	sfence.sel $0x180000  }
0x36: {  	[bflag:$0x0] =	sbarrier.arrive $0xFFFF  }
0x37: {  	p0 =	sne.s32 s1, $0x0;
	_ =	strace $0x90000047  }
0x38: {  	s0 =	sadd.s32 @!p0 $0x100000, s0;
	[bflag:$0x2] =	sbarrier.arrive $0xFFFF  }
0x39: {  	[sflag:s0] =	ssyncadd.tile.s32 @!p0 $0x1;
	_ =	shalt  }
.Lfunc_end2:
_tile_overlayer_lowered:
.L_overlay_start_2:
0x3a: {  	(tag) =	ssettag $0x2  }
0x3b: {  	s0 =	rddreg [dreg:$0x0];
	s2 =	stileid.u32  }
0x3c: {  	s1 =	rddreg [dreg:$0x1];
	p0 =	sne.s32 s2, $0x0  }
0x3d: {  	s3 =	rddreg [dreg:$0x2];
	[bflag:$0x3] =	sbarrier.arrive $0xFFFF;
	s2 =	simm.s32 @!p0 $0x1C01  }
0x3e: {  	[timem:s3], [sflag:s2] =	dma.local @!p0 [hbm:s0], s1  }
0x3f: {  	s0 =	simm.s32 @!p0 $0x1  }
0x40: {  	_ =	swait.ge @!p0 [sflag:s0], s1  }
0x41: {  	s1 =	ssub.s32 @!p0 $0x0, s1;
	[sflag:s0] =	ssyncset.done @!p0 $0x0  }
0x42: {  	[sflag:s0] =	ssyncadd.s32 @!p0 s1  }
0x43: {  	[bflag:$0x3] =	sbarrier.arrive $0xFFFF  }
0x44: {  	_ =	shalt  }

</sc_bundles>
